<compile_context>
chip_gen: v7x
topology: tpu7x:2x2x1
jax: 0.10.2.dev20260603
libtpu: 0.0.44.dev20260713+nightly
codegen_flags: <defaults>
</compile_context>

<pallas_src>
import functools
import math

import jax
import jax.numpy as jnp
from jax import lax
from jax.experimental import pallas as pl
from jax.experimental.pallas import tpu as pltpu
from jax.experimental.pallas import tpu_sc as plsc

_NC = 2
_NS = 16
_NW = _NC * _NS
_C = 128
_M = 5
_K = 3


def _scale_body(t_ref, o_ref, *, scale):
    o_ref[...] = t_ref[...] * scale


def _scale_table(table, scale):
    v, d = table.shape
    br = 2000
    assert v % br == 0
    return pl.pallas_call(
        functools.partial(_scale_body, scale=scale),
        grid=(v // br,),
        in_specs=[pl.BlockSpec((br, d), lambda i: (i, 0))],
        out_specs=pl.BlockSpec((br, d), lambda i: (i, 0)),
        out_shape=jax.ShapeDtypeStruct((v, d), table.dtype),
    )(table)


def _make_gather(b_total, d):
    per_w = b_total // _NW
    n_chunks = per_w // _C
    assert n_chunks % _M == 0 and n_chunks > _M
    mesh = plsc.VectorSubcoreMesh(core_axis_name="c", subcore_axis_name="s")

    @functools.partial(
        pl.kernel,
        out_type=jax.ShapeDtypeStruct((b_total, d), jnp.float32),
        mesh=mesh,
        scratch_types=[
            pltpu.VMEM((n_chunks, _C), jnp.int32),
            pltpu.VMEM((_M, _C, d), jnp.float32),
        ] + [pltpu.SemaphoreType.DMA] * (2 * _M),
    )
    def gather(tab_hbm, idx_hbm, out_hbm, idx_v, rows_v, *sems):
        gsems, ssems = sems[:_M], sems[_M:]
        wid = lax.axis_index("s") * _NC + lax.axis_index("c")
        pltpu.sync_copy(idx_hbm.at[wid], idx_v)
        base = wid * per_w

        def g_start(c, b):
            pltpu.async_copy(tab_hbm.at[idx_v.at[c]], rows_v.at[b], gsems[b])

        def g_wait(c, b):
            pltpu.make_async_copy(
                tab_hbm.at[idx_v.at[c]], rows_v.at[b], gsems[b]).wait()

        def s_start(c, b):
            pltpu.async_copy(rows_v.at[b],
                             out_hbm.at[pl.ds(base + c * _C, _C)], ssems[b])

        def s_wait(c, b):
            pltpu.make_async_copy(
                rows_v.at[b],
                out_hbm.at[pl.ds(base + c * _C, _C)], ssems[b]).wait()

        for b in range(_K):
            g_start(b, b)

        def group(g, carry):
            for r in range(_M):
                c = g * _M + r
                g_wait(c, r)
                s_start(c, r)
                bp = (r + _K) % _M

                @pl.when(c >= _M - _K)
                def _():
                    s_wait(c + _K - _M, bp)

                @pl.when(c + _K < n_chunks)
                def _():
                    g_start(c + _K, bp)
            return carry

        lax.fori_loop(0, n_chunks // _M, group, 0)

        for c in range(n_chunks - (_M - _K), n_chunks):
            s_wait(c, c % _M)

    return gather


def kernel(x, table):
    d = table.shape[1]
    b_total = x.size
    assert b_total % (_NW * _C) == 0
    idx = x.reshape(_NW, b_total // (_NW * _C), _C).astype(jnp.int32)
    tab = _scale_table(table, math.sqrt(float(d)))
    out = _make_gather(b_total, d)(tab, idx)
    return out.reshape(x.shape + (d,))

# --- scband reference (transcript-rebuilt; emitter-appended) ---
"""Pipeline reference for scband-shared-embeddings-86973087744686 (READ-ONLY COPY).

The authoritative reference and input builder live on the scoring server;
editing this copy changes nothing except your own understanding.
"""

import jax, jax.numpy as jnp
import numpy as np
import math

VOCAB = 100000
D_MODEL = 128
PADDING_IDX = 0


def setup_inputs(seed: int = 0) -> dict:
    key = jax.random.key(seed)
    k1, k2 = jax.random.split(key)
    x = jax.random.randint(k1, (4096, 200), 0, VOCAB, dtype=jnp.int64 if jax.config.jax_enable_x64 else jnp.int32)
    # xavier_uniform init for embedding table [VOCAB, D_MODEL]
    limit = math.sqrt(6.0 / (VOCAB + D_MODEL))
    table = jax.random.uniform(k2, (VOCAB, D_MODEL), minval=-limit, maxval=limit, dtype=jnp.float32)
    # zero padding row
    table = table.at[PADDING_IDX].set(0.0)
    return {"x": x, "table": table}


def reference(x, table):
    # embedding lookup (gather rows)
    embeddings = jnp.take(table, x, axis=0)
    # scale=True by default
    embeddings = embeddings * math.sqrt(D_MODEL)
    return embeddings

if __name__ == "__main__":
    import jax
    _d = setup_inputs()
    print(jax.jit(kernel)(*tuple(_d.values())))

</pallas_src>

<mosaic_0001>
#map = affine_map<(d0, d1) -> (0, 0)>
#map1 = affine_map<(d0, d1) -> (0, 0, 0)>
module attributes {stable_mosaic.version = 14 : i64} {
  func.func @gather(%arg0: i32, %arg1: i32, %arg2: memref<100000x128xf32, #tpu.memory_space<hbm>>, %arg3: memref<32x200x128xi32, #tpu.memory_space<hbm>>, %arg4: memref<819200x128xf32, #tpu.memory_space<hbm>>, %arg5: memref<200x128xi32, #tpu.memory_space<vmem>>, %arg6: memref<5x128x128xf32, #tpu.memory_space<vmem>>, %arg7: memref<!tpu.dma_semaphore, #tpu.memory_space<semaphore_mem>>, %arg8: memref<!tpu.dma_semaphore, #tpu.memory_space<semaphore_mem>>, %arg9: memref<!tpu.dma_semaphore, #tpu.memory_space<semaphore_mem>>, %arg10: memref<!tpu.dma_semaphore, #tpu.memory_space<semaphore_mem>>, %arg11: memref<!tpu.dma_semaphore, #tpu.memory_space<semaphore_mem>>, %arg12: memref<!tpu.dma_semaphore, #tpu.memory_space<semaphore_mem>>, %arg13: memref<!tpu.dma_semaphore, #tpu.memory_space<semaphore_mem>>, %arg14: memref<!tpu.dma_semaphore, #tpu.memory_space<semaphore_mem>>, %arg15: memref<!tpu.dma_semaphore, #tpu.memory_space<semaphore_mem>>, %arg16: memref<!tpu.dma_semaphore, #tpu.memory_space<semaphore_mem>>) attributes {dimension_semantics = [#tpu.dimension_semantics<core_parallel>, #tpu.dimension_semantics<subcore_parallel>], iteration_bounds = array<i64: 2, 16>, scalar_prefetch = 0 : i64, scratch_operands = 12 : i64, tpu.core_type = #tpu.core_type<sc_vector_subcore>, window_params = [{transform_indices = #map}, {transform_indices = #map1}, {transform_indices = #map}]} {
    %mul3A = arith.constant 2 : i32
    %mul3A_0 = arith.muli %arg1, %mul3A : i32
    %add3A = arith.addi %mul3A_0, %arg0 : i32
    "tpu.region"() ({
      %run_scoped3A = tpu.sem_alloc : memref<!tpu.dma_semaphore, #tpu.memory_space<semaphore_mem>>
      %dma_start3A_72 = arith.constant 0 : i32
      %dma_start3A_73 = arith.constant 0 : i32
      %dma_start3A_74 = tpu.memref_slice %arg3[%add3A, %dma_start3A_72, %dma_start3A_73] : memref<32x200x128xi32, #tpu.memory_space<hbm>> -> memref<1x200x128xi32, #tpu.memory_space<hbm>>
      %dma_start3A_75 = tpu.memref_squeeze %dma_start3A_74 : memref<1x200x128xi32, #tpu.memory_space<hbm>> -> memref<200x128xi32, #tpu.memory_space<hbm>>
      %dma_start3A_76 = arith.constant 0 : i32
      %dma_start3A_77 = arith.constant 0 : i32
      %dma_start3A_78 = tpu.memref_slice %arg3[%add3A, %dma_start3A_76, %dma_start3A_77] : memref<32x200x128xi32, #tpu.memory_space<hbm>> -> memref<1x200x128xi32, #tpu.memory_space<hbm>>
      %dma_start3A_79 = tpu.memref_squeeze %dma_start3A_78 : memref<1x200x128xi32, #tpu.memory_space<hbm>> -> memref<200x128xi32, #tpu.memory_space<hbm>>
      tpu.enqueue_dma source(%dma_start3A_79 : memref<200x128xi32, #tpu.memory_space<hbm>>) target(%arg5 : memref<200x128xi32, #tpu.memory_space<vmem>>) target_semaphore(%run_scoped3A : memref<!tpu.dma_semaphore, #tpu.memory_space<semaphore_mem>>)
      %dma_wait3A_80 = arith.constant 0 : i32
      %dma_wait3A_81 = arith.constant 0 : i32
      %dma_wait3A_82 = tpu.memref_slice %arg3[%add3A, %dma_wait3A_80, %dma_wait3A_81] : memref<32x200x128xi32, #tpu.memory_space<hbm>> -> memref<1x200x128xi32, #tpu.memory_space<hbm>>
      %dma_wait3A_83 = tpu.memref_squeeze %dma_wait3A_82 : memref<1x200x128xi32, #tpu.memory_space<hbm>> -> memref<200x128xi32, #tpu.memory_space<hbm>>
      %dma_wait3A_84 = arith.constant 0 : i32
      %dma_wait3A_85 = arith.constant 0 : i32
      %dma_wait3A_86 = tpu.memref_slice %arg3[%add3A, %dma_wait3A_84, %dma_wait3A_85] : memref<32x200x128xi32, #tpu.memory_space<hbm>> -> memref<1x200x128xi32, #tpu.memory_space<hbm>>
      %dma_wait3A_87 = tpu.memref_squeeze %dma_wait3A_86 : memref<1x200x128xi32, #tpu.memory_space<hbm>> -> memref<200x128xi32, #tpu.memory_space<hbm>>
      tpu.wait_dma2 semaphore(%run_scoped3A : memref<!tpu.dma_semaphore, #tpu.memory_space<semaphore_mem>>) src(%dma_wait3A_87 : memref<200x128xi32, #tpu.memory_space<hbm>>) dst(%arg5 : memref<200x128xi32, #tpu.memory_space<vmem>>)
      tpu.yield
    }) : () -> ()
    %mul3A_1 = arith.constant 25600 : i32
    %mul3A_2 = arith.muli %add3A, %mul3A_1 : i32
    %dma_start3A = arith.constant 0 : i32
    %dma_start3A_3 = arith.constant 0 : i32
    %dma_start3A_4 = arith.constant 0 : i32
    %dma_start3A_5 = arith.constant 0 : i32
    %dma_start3A_6 = tpu.memref_slice %arg6[%dma_start3A_3, %dma_start3A_4, %dma_start3A_5] : memref<5x128x128xf32, #tpu.memory_space<vmem>> -> memref<1x128x128xf32, #tpu.memory_space<vmem>>
    %dma_start3A_7 = tpu.memref_squeeze %dma_start3A_6 : memref<1x128x128xf32, #tpu.memory_space<vmem>> -> memref<128x128xf32, #tpu.memory_space<vmem>>
    %dma_start3A_8 = arith.constant 0 : i32
    %dma_start3A_9 = tpu.memref_slice %arg5[%dma_start3A, %dma_start3A_8] : memref<200x128xi32, #tpu.memory_space<vmem>> -> memref<1x128xi32, #tpu.memory_space<vmem>>
    %dma_start3A_10 = tpu.memref_squeeze %dma_start3A_9 : memref<1x128xi32, #tpu.memory_space<vmem>> -> memref<128xi32, #tpu.memory_space<vmem>>
    %dma_start3A_11 = arith.constant 0 : i32
    %dma_start3A_12 = arith.constant 0 : i32
    %dma_start3A_13 = tpu.memref_slice %arg2[%dma_start3A_11, %dma_start3A_12] : memref<100000x128xf32, #tpu.memory_space<hbm>> -> memref<100000x128xf32, #tpu.memory_space<hbm>>
    tpu.enqueue_indirect_dma source(%dma_start3A_13 : memref<100000x128xf32, #tpu.memory_space<hbm>>) target(%dma_start3A_7 : memref<128x128xf32, #tpu.memory_space<vmem>>) offsets(%dma_start3A_10 : memref<128xi32, #tpu.memory_space<vmem>>) semaphore(%arg7 : memref<!tpu.dma_semaphore, #tpu.memory_space<semaphore_mem>>)
    %dma_start3A_14 = arith.constant 1 : i32
    %dma_start3A_15 = arith.constant 1 : i32
    %dma_start3A_16 = arith.constant 0 : i32
    %dma_start3A_17 = arith.constant 0 : i32
    %dma_start3A_18 = tpu.memref_slice %arg6[%dma_start3A_15, %dma_start3A_16, %dma_start3A_17] : memref<5x128x128xf32, #tpu.memory_space<vmem>> -> memref<1x128x128xf32, #tpu.memory_space<vmem>>
    %dma_start3A_19 = tpu.memref_squeeze %dma_start3A_18 : memref<1x128x128xf32, #tpu.memory_space<vmem>> -> memref<128x128xf32, #tpu.memory_space<vmem>>
    %dma_start3A_20 = arith.constant 0 : i32
    %dma_start3A_21 = tpu.memref_slice %arg5[%dma_start3A_14, %dma_start3A_20] : memref<200x128xi32, #tpu.memory_space<vmem>> -> memref<1x128xi32, #tpu.memory_space<vmem>>
    %dma_start3A_22 = tpu.memref_squeeze %dma_start3A_21 : memref<1x128xi32, #tpu.memory_space<vmem>> -> memref<128xi32, #tpu.memory_space<vmem>>
    %dma_start3A_23 = arith.constant 0 : i32
    %dma_start3A_24 = arith.constant 0 : i32
    %dma_start3A_25 = tpu.memref_slice %arg2[%dma_start3A_23, %dma_start3A_24] : memref<100000x128xf32, #tpu.memory_space<hbm>> -> memref<100000x128xf32, #tpu.memory_space<hbm>>
    tpu.enqueue_indirect_dma source(%dma_start3A_25 : memref<100000x128xf32, #tpu.memory_space<hbm>>) target(%dma_start3A_19 : memref<128x128xf32, #tpu.memory_space<vmem>>) offsets(%dma_start3A_22 : memref<128xi32, #tpu.memory_space<vmem>>) semaphore(%arg8 : memref<!tpu.dma_semaphore, #tpu.memory_space<semaphore_mem>>)
    %dma_start3A_26 = arith.constant 2 : i32
    %dma_start3A_27 = arith.constant 2 : i32
    %dma_start3A_28 = arith.constant 0 : i32
    %dma_start3A_29 = arith.constant 0 : i32
    %dma_start3A_30 = tpu.memref_slice %arg6[%dma_start3A_27, %dma_start3A_28, %dma_start3A_29] : memref<5x128x128xf32, #tpu.memory_space<vmem>> -> memref<1x128x128xf32, #tpu.memory_space<vmem>>
    %dma_start3A_31 = tpu.memref_squeeze %dma_start3A_30 : memref<1x128x128xf32, #tpu.memory_space<vmem>> -> memref<128x128xf32, #tpu.memory_space<vmem>>
    %dma_start3A_32 = arith.constant 0 : i32
    %dma_start3A_33 = tpu.memref_slice %arg5[%dma_start3A_26, %dma_start3A_32] : memref<200x128xi32, #tpu.memory_space<vmem>> -> memref<1x128xi32, #tpu.memory_space<vmem>>
    %dma_start3A_34 = tpu.memref_squeeze %dma_start3A_33 : memref<1x128xi32, #tpu.memory_space<vmem>> -> memref<128xi32, #tpu.memory_space<vmem>>
    %dma_start3A_35 = arith.constant 0 : i32
    %dma_start3A_36 = arith.constant 0 : i32
    %dma_start3A_37 = tpu.memref_slice %arg2[%dma_start3A_35, %dma_start3A_36] : memref<100000x128xf32, #tpu.memory_space<hbm>> -> memref<100000x128xf32, #tpu.memory_space<hbm>>
    tpu.enqueue_indirect_dma source(%dma_start3A_37 : memref<100000x128xf32, #tpu.memory_space<hbm>>) target(%dma_start3A_31 : memref<128x128xf32, #tpu.memory_space<vmem>>) offsets(%dma_start3A_34 : memref<128xi32, #tpu.memory_space<vmem>>) semaphore(%arg9 : memref<!tpu.dma_semaphore, #tpu.memory_space<semaphore_mem>>)
    %scan3A = arith.constant 0 : i32
    %scan3A_38 = arith.constant 0 : i32
    %scan3A_39 = arith.constant 40 : i32
    %scan3A_40 = arith.addi %scan3A_38, %scan3A_39 : i32
    %scan3A_41 = arith.constant 1 : i32
    scf.for %scan3A_72 = %scan3A_38 to %scan3A_40 step %scan3A_41  : i32 {
      %mul3A_73 = arith.constant 5 : i32
      %mul3A_74 = arith.muli %scan3A_72, %mul3A_73 : i32
      %add3A_75 = arith.constant 0 : i32
      %add3A_76 = arith.addi %mul3A_74, %add3A_75 : i32
      %dma_wait3A_77 = arith.constant 0 : i32
      %dma_wait3A_78 = arith.constant 0 : i32
      %dma_wait3A_79 = arith.constant 0 : i32
      %dma_wait3A_80 = tpu.memref_slice %arg6[%dma_wait3A_77, %dma_wait3A_78, %dma_wait3A_79] : memref<5x128x128xf32, #tpu.memory_space<vmem>> -> memref<1x128x128xf32, #tpu.memory_space<vmem>>
      %dma_wait3A_81 = tpu.memref_squeeze %dma_wait3A_80 : memref<1x128x128xf32, #tpu.memory_space<vmem>> -> memref<128x128xf32, #tpu.memory_space<vmem>>
      %dma_wait3A_82 = arith.constant 0 : i32
      %dma_wait3A_83 = tpu.memref_slice %arg5[%add3A_76, %dma_wait3A_82] : memref<200x128xi32, #tpu.memory_space<vmem>> -> memref<1x128xi32, #tpu.memory_space<vmem>>
      %dma_wait3A_84 = tpu.memref_squeeze %dma_wait3A_83 : memref<1x128xi32, #tpu.memory_space<vmem>> -> memref<128xi32, #tpu.memory_space<vmem>>
      %dma_wait3A_85 = arith.constant 0 : i32
      %dma_wait3A_86 = arith.constant 0 : i32
      %dma_wait3A_87 = tpu.memref_slice %arg2[%dma_wait3A_85, %dma_wait3A_86] : memref<100000x128xf32, #tpu.memory_space<hbm>> -> memref<100000x128xf32, #tpu.memory_space<hbm>>
      tpu.wait_indirect_dma semaphore(%arg7 : memref<!tpu.dma_semaphore, #tpu.memory_space<semaphore_mem>>) src(%dma_wait3A_87 : memref<100000x128xf32, #tpu.memory_space<hbm>>) dst(%dma_wait3A_81 : memref<128x128xf32, #tpu.memory_space<vmem>>)
      %mul3A_88 = arith.constant 128 : i32
      %mul3A_89 = arith.muli %add3A_76, %mul3A_88 : i32
      %add3A_90 = arith.addi %mul3A_2, %mul3A_89 : i32
      %dma_start3A_91 = arith.constant 0 : i32
      %dma_start3A_92 = arith.constant 0 : i32
      %dma_start3A_93 = arith.constant 0 : i32
      %dma_start3A_94 = tpu.memref_slice %arg6[%dma_start3A_91, %dma_start3A_92, %dma_start3A_93] : memref<5x128x128xf32, #tpu.memory_space<vmem>> -> memref<1x128x128xf32, #tpu.memory_space<vmem>>
      %dma_start3A_95 = tpu.memref_squeeze %dma_start3A_94 : memref<1x128x128xf32, #tpu.memory_space<vmem>> -> memref<128x128xf32, #tpu.memory_space<vmem>>
      %dma_start3A_96 = arith.constant 0 : i32
      %dma_start3A_97 = tpu.memref_slice %arg4[%add3A_90, %dma_start3A_96] : memref<819200x128xf32, #tpu.memory_space<hbm>> -> memref<128x128xf32, #tpu.memory_space<hbm>>
      %dma_start3A_98 = arith.constant 0 : i32
      %dma_start3A_99 = tpu.memref_slice %arg4[%add3A_90, %dma_start3A_98] : memref<819200x128xf32, #tpu.memory_space<hbm>> -> memref<128x128xf32, #tpu.memory_space<hbm>>
      %dma_start3A_100 = arith.constant 0 : i32
      %dma_start3A_101 = arith.constant 0 : i32
      %dma_start3A_102 = tpu.memref_slice %arg6[%dma_start3A_91, %dma_start3A_100, %dma_start3A_101] : memref<5x128x128xf32, #tpu.memory_space<vmem>> -> memref<1x128x128xf32, #tpu.memory_space<vmem>>
      %dma_start3A_103 = tpu.memref_squeeze %dma_start3A_102 : memref<1x128x128xf32, #tpu.memory_space<vmem>> -> memref<128x128xf32, #tpu.memory_space<vmem>>
      tpu.enqueue_dma source(%dma_start3A_103 : memref<128x128xf32, #tpu.memory_space<vmem>>) target(%dma_start3A_99 : memref<128x128xf32, #tpu.memory_space<hbm>>) target_semaphore(%arg12 : memref<!tpu.dma_semaphore, #tpu.memory_space<semaphore_mem>>)
      %ge3A = arith.constant 2 : i32
      %ge3A_104 = arith.cmpi sge, %add3A_76, %ge3A : i32
      %convert_element_type3A = arith.extui %ge3A_104 : i1 to i32
      %cond3A = arith.constant 0 : i32
      %cond3A_105 = arith.cmpi ne, %convert_element_type3A, %cond3A : i32
      scf.if %cond3A_105 {
        %add3A_284 = arith.constant 3 : i32
        %add3A_285 = arith.addi %add3A_76, %add3A_284 : i32
        %sub3A = arith.constant 5 : i32
        %sub3A_286 = arith.subi %add3A_285, %sub3A : i32
        %mul3A_287 = arith.constant 128 : i32
        %mul3A_288 = arith.muli %sub3A_286, %mul3A_287 : i32
        %add3A_289 = arith.addi %mul3A_2, %mul3A_288 : i32
        %dma_wait3A_290 = arith.constant 3 : i32
        %dma_wait3A_291 = arith.constant 0 : i32
        %dma_wait3A_292 = arith.constant 0 : i32
        %dma_wait3A_293 = tpu.memref_slice %arg6[%dma_wait3A_290, %dma_wait3A_291, %dma_wait3A_292] : memref<5x128x128xf32, #tpu.memory_space<vmem>> -> memref<1x128x128xf32, #tpu.memory_space<vmem>>
        %dma_wait3A_294 = tpu.memref_squeeze %dma_wait3A_293 : memref<1x128x128xf32, #tpu.memory_space<vmem>> -> memref<128x128xf32, #tpu.memory_space<vmem>>
        %dma_wait3A_295 = arith.constant 0 : i32
        %dma_wait3A_296 = tpu.memref_slice %arg4[%add3A_289, %dma_wait3A_295] : memref<819200x128xf32, #tpu.memory_space<hbm>> -> memref<128x128xf32, #tpu.memory_space<hbm>>
        %dma_wait3A_297 = arith.constant 0 : i32
        %dma_wait3A_298 = tpu.memref_slice %arg4[%add3A_289, %dma_wait3A_297] : memref<819200x128xf32, #tpu.memory_space<hbm>> -> memref<128x128xf32, #tpu.memory_space<hbm>>
        %dma_wait3A_299 = arith.constant 0 : i32
        %dma_wait3A_300 = arith.constant 0 : i32
        %dma_wait3A_301 = tpu.memref_slice %arg6[%dma_wait3A_290, %dma_wait3A_299, %dma_wait3A_300] : memref<5x128x128xf32, #tpu.memory_space<vmem>> -> memref<1x128x128xf32, #tpu.memory_space<vmem>>
        %dma_wait3A_302 = tpu.memref_squeeze %dma_wait3A_301 : memref<1x128x128xf32, #tpu.memory_space<vmem>> -> memref<128x128xf32, #tpu.memory_space<vmem>>
        tpu.wait_dma2 semaphore(%arg15 : memref<!tpu.dma_semaphore, #tpu.memory_space<semaphore_mem>>) src(%dma_wait3A_302 : memref<128x128xf32, #tpu.memory_space<vmem>>) dst(%dma_wait3A_298 : memref<128x128xf32, #tpu.memory_space<hbm>>)
      } else {
      }
      %add3A_106 = arith.constant 3 : i32
      %add3A_107 = arith.addi %add3A_76, %add3A_106 : i32
      %lt3A = arith.constant 200 : i32
      %lt3A_108 = arith.cmpi slt, %add3A_107, %lt3A : i32
      %convert_element_type3A_109 = arith.extui %lt3A_108 : i1 to i32
      %cond3A_110 = arith.constant 0 : i32
      %cond3A_111 = arith.cmpi ne, %convert_element_type3A_109, %cond3A_110 : i32
      scf.if %cond3A_111 {
        %add3A_284 = arith.constant 3 : i32
        %add3A_285 = arith.addi %add3A_76, %add3A_284 : i32
        %dma_start3A_286 = arith.constant 3 : i32
        %dma_start3A_287 = arith.constant 0 : i32
        %dma_start3A_288 = arith.constant 0 : i32
        %dma_start3A_289 = tpu.memref_slice %arg6[%dma_start3A_286, %dma_start3A_287, %dma_start3A_288] : memref<5x128x128xf32, #tpu.memory_space<vmem>> -> memref<1x128x128xf32, #tpu.memory_space<vmem>>
        %dma_start3A_290 = tpu.memref_squeeze %dma_start3A_289 : memref<1x128x128xf32, #tpu.memory_space<vmem>> -> memref<128x128xf32, #tpu.memory_space<vmem>>
        %dma_start3A_291 = arith.constant 0 : i32
        %dma_start3A_292 = tpu.memref_slice %arg5[%add3A_285, %dma_start3A_291] : memref<200x128xi32, #tpu.memory_space<vmem>> -> memref<1x128xi32, #tpu.memory_space<vmem>>
        %dma_start3A_293 = tpu.memref_squeeze %dma_start3A_292 : memref<1x128xi32, #tpu.memory_space<vmem>> -> memref<128xi32, #tpu.memory_space<vmem>>
        %dma_start3A_294 = arith.constant 0 : i32
        %dma_start3A_295 = arith.constant 0 : i32
        %dma_start3A_296 = tpu.memref_slice %arg2[%dma_start3A_294, %dma_start3A_295] : memref<100000x128xf32, #tpu.memory_space<hbm>> -> memref<100000x128xf32, #tpu.memory_space<hbm>>
        tpu.enqueue_indirect_dma source(%dma_start3A_296 : memref<100000x128xf32, #tpu.memory_space<hbm>>) target(%dma_start3A_290 : memref<128x128xf32, #tpu.memory_space<vmem>>) offsets(%dma_start3A_293 : memref<128xi32, #tpu.memory_space<vmem>>) semaphore(%arg10 : memref<!tpu.dma_semaphore, #tpu.memory_space<semaphore_mem>>)
      } else {
      }
      %mul3A_112 = arith.constant 5 : i32
      %mul3A_113 = arith.muli %scan3A_72, %mul3A_112 : i32
      %add3A_114 = arith.constant 1 : i32
      %add3A_115 = arith.addi %mul3A_113, %add3A_114 : i32
      %dma_wait3A_116 = arith.constant 1 : i32
      %dma_wait3A_117 = arith.constant 0 : i32
      %dma_wait3A_118 = arith.constant 0 : i32
      %dma_wait3A_119 = tpu.memref_slice %arg6[%dma_wait3A_116, %dma_wait3A_117, %dma_wait3A_118] : memref<5x128x128xf32, #tpu.memory_space<vmem>> -> memref<1x128x128xf32, #tpu.memory_space<vmem>>
      %dma_wait3A_120 = tpu.memref_squeeze %dma_wait3A_119 : memref<1x128x128xf32, #tpu.memory_space<vmem>> -> memref<128x128xf32, #tpu.memory_space<vmem>>
      %dma_wait3A_121 = arith.constant 0 : i32
      %dma_wait3A_122 = tpu.memref_slice %arg5[%add3A_115, %dma_wait3A_121] : memref<200x128xi32, #tpu.memory_space<vmem>> -> memref<1x128xi32, #tpu.memory_space<vmem>>
      %dma_wait3A_123 = tpu.memref_squeeze %dma_wait3A_122 : memref<1x128xi32, #tpu.memory_space<vmem>> -> memref<128xi32, #tpu.memory_space<vmem>>
      %dma_wait3A_124 = arith.constant 0 : i32
      %dma_wait3A_125 = arith.constant 0 : i32
      %dma_wait3A_126 = tpu.memref_slice %arg2[%dma_wait3A_124, %dma_wait3A_125] : memref<100000x128xf32, #tpu.memory_space<hbm>> -> memref<100000x128xf32, #tpu.memory_space<hbm>>
      tpu.wait_indirect_dma semaphore(%arg8 : memref<!tpu.dma_semaphore, #tpu.memory_space<semaphore_mem>>) src(%dma_wait3A_126 : memref<100000x128xf32, #tpu.memory_space<hbm>>) dst(%dma_wait3A_120 : memref<128x128xf32, #tpu.memory_space<vmem>>)
      %mul3A_127 = arith.constant 128 : i32
      %mul3A_128 = arith.muli %add3A_115, %mul3A_127 : i32
      %add3A_129 = arith.addi %mul3A_2, %mul3A_128 : i32
      %dma_start3A_130 = arith.constant 1 : i32
      %dma_start3A_131 = arith.constant 0 : i32
      %dma_start3A_132 = arith.constant 0 : i32
      %dma_start3A_133 = tpu.memref_slice %arg6[%dma_start3A_130, %dma_start3A_131, %dma_start3A_132] : memref<5x128x128xf32, #tpu.memory_space<vmem>> -> memref<1x128x128xf32, #tpu.memory_space<vmem>>
      %dma_start3A_134 = tpu.memref_squeeze %dma_start3A_133 : memref<1x128x128xf32, #tpu.memory_space<vmem>> -> memref<128x128xf32, #tpu.memory_space<vmem>>
      %dma_start3A_135 = arith.constant 0 : i32
      %dma_start3A_136 = tpu.memref_slice %arg4[%add3A_129, %dma_start3A_135] : memref<819200x128xf32, #tpu.memory_space<hbm>> -> memref<128x128xf32, #tpu.memory_space<hbm>>
      %dma_start3A_137 = arith.constant 0 : i32
      %dma_start3A_138 = tpu.memref_slice %arg4[%add3A_129, %dma_start3A_137] : memref<819200x128xf32, #tpu.memory_space<hbm>> -> memref<128x128xf32, #tpu.memory_space<hbm>>
      %dma_start3A_139 = arith.constant 0 : i32
      %dma_start3A_140 = arith.constant 0 : i32
      %dma_start3A_141 = tpu.memref_slice %arg6[%dma_start3A_130, %dma_start3A_139, %dma_start3A_140] : memref<5x128x128xf32, #tpu.memory_space<vmem>> -> memref<1x128x128xf32, #tpu.memory_space<vmem>>
      %dma_start3A_142 = tpu.memref_squeeze %dma_start3A_141 : memref<1x128x128xf32, #tpu.memory_space<vmem>> -> memref<128x128xf32, #tpu.memory_space<vmem>>
      tpu.enqueue_dma source(%dma_start3A_142 : memref<128x128xf32, #tpu.memory_space<vmem>>) target(%dma_start3A_138 : memref<128x128xf32, #tpu.memory_space<hbm>>) target_semaphore(%arg13 : memref<!tpu.dma_semaphore, #tpu.memory_space<semaphore_mem>>)
      %ge3A_143 = arith.constant 2 : i32
      %ge3A_144 = arith.cmpi sge, %add3A_115, %ge3A_143 : i32
      %convert_element_type3A_145 = arith.extui %ge3A_144 : i1 to i32
      %cond3A_146 = arith.constant 0 : i32
      %cond3A_147 = arith.cmpi ne, %convert_element_type3A_145, %cond3A_146 : i32
      scf.if %cond3A_147 {
        %add3A_284 = arith.constant 3 : i32
        %add3A_285 = arith.addi %add3A_115, %add3A_284 : i32
        %sub3A = arith.constant 5 : i32
        %sub3A_286 = arith.subi %add3A_285, %sub3A : i32
        %mul3A_287 = arith.constant 128 : i32
        %mul3A_288 = arith.muli %sub3A_286, %mul3A_287 : i32
        %add3A_289 = arith.addi %mul3A_2, %mul3A_288 : i32
        %dma_wait3A_290 = arith.constant 4 : i32
        %dma_wait3A_291 = arith.constant 0 : i32
        %dma_wait3A_292 = arith.constant 0 : i32
        %dma_wait3A_293 = tpu.memref_slice %arg6[%dma_wait3A_290, %dma_wait3A_291, %dma_wait3A_292] : memref<5x128x128xf32, #tpu.memory_space<vmem>> -> memref<1x128x128xf32, #tpu.memory_space<vmem>>
        %dma_wait3A_294 = tpu.memref_squeeze %dma_wait3A_293 : memref<1x128x128xf32, #tpu.memory_space<vmem>> -> memref<128x128xf32, #tpu.memory_space<vmem>>
        %dma_wait3A_295 = arith.constant 0 : i32
        %dma_wait3A_296 = tpu.memref_slice %arg4[%add3A_289, %dma_wait3A_295] : memref<819200x128xf32, #tpu.memory_space<hbm>> -> memref<128x128xf32, #tpu.memory_space<hbm>>
        %dma_wait3A_297 = arith.constant 0 : i32
        %dma_wait3A_298 = tpu.memref_slice %arg4[%add3A_289, %dma_wait3A_297] : memref<819200x128xf32, #tpu.memory_space<hbm>> -> memref<128x128xf32, #tpu.memory_space<hbm>>
        %dma_wait3A_299 = arith.constant 0 : i32
        %dma_wait3A_300 = arith.constant 0 : i32
        %dma_wait3A_301 = tpu.memref_slice %arg6[%dma_wait3A_290, %dma_wait3A_299, %dma_wait3A_300] : memref<5x128x128xf32, #tpu.memory_space<vmem>> -> memref<1x128x128xf32, #tpu.memory_space<vmem>>
        %dma_wait3A_302 = tpu.memref_squeeze %dma_wait3A_301 : memref<1x128x128xf32, #tpu.memory_space<vmem>> -> memref<128x128xf32, #tpu.memory_space<vmem>>
        tpu.wait_dma2 semaphore(%arg16 : memref<!tpu.dma_semaphore, #tpu.memory_space<semaphore_mem>>) src(%dma_wait3A_302 : memref<128x128xf32, #tpu.memory_space<vmem>>) dst(%dma_wait3A_298 : memref<128x128xf32, #tpu.memory_space<hbm>>)
      } else {
      }
      %add3A_148 = arith.constant 3 : i32
      %add3A_149 = arith.addi %add3A_115, %add3A_148 : i32
      %lt3A_150 = arith.constant 200 : i32
      %lt3A_151 = arith.cmpi slt, %add3A_149, %lt3A_150 : i32
      %convert_element_type3A_152 = arith.extui %lt3A_151 : i1 to i32
      %cond3A_153 = arith.constant 0 : i32
      %cond3A_154 = arith.cmpi ne, %convert_element_type3A_152, %cond3A_153 : i32
      scf.if %cond3A_154 {
        %add3A_284 = arith.constant 3 : i32
        %add3A_285 = arith.addi %add3A_115, %add3A_284 : i32
        %dma_start3A_286 = arith.constant 4 : i32
        %dma_start3A_287 = arith.constant 0 : i32
        %dma_start3A_288 = arith.constant 0 : i32
        %dma_start3A_289 = tpu.memref_slice %arg6[%dma_start3A_286, %dma_start3A_287, %dma_start3A_288] : memref<5x128x128xf32, #tpu.memory_space<vmem>> -> memref<1x128x128xf32, #tpu.memory_space<vmem>>
        %dma_start3A_290 = tpu.memref_squeeze %dma_start3A_289 : memref<1x128x128xf32, #tpu.memory_space<vmem>> -> memref<128x128xf32, #tpu.memory_space<vmem>>
        %dma_start3A_291 = arith.constant 0 : i32
        %dma_start3A_292 = tpu.memref_slice %arg5[%add3A_285, %dma_start3A_291] : memref<200x128xi32, #tpu.memory_space<vmem>> -> memref<1x128xi32, #tpu.memory_space<vmem>>
        %dma_start3A_293 = tpu.memref_squeeze %dma_start3A_292 : memref<1x128xi32, #tpu.memory_space<vmem>> -> memref<128xi32, #tpu.memory_space<vmem>>
        %dma_start3A_294 = arith.constant 0 : i32
        %dma_start3A_295 = arith.constant 0 : i32
        %dma_start3A_296 = tpu.memref_slice %arg2[%dma_start3A_294, %dma_start3A_295] : memref<100000x128xf32, #tpu.memory_space<hbm>> -> memref<100000x128xf32, #tpu.memory_space<hbm>>
        tpu.enqueue_indirect_dma source(%dma_start3A_296 : memref<100000x128xf32, #tpu.memory_space<hbm>>) target(%dma_start3A_290 : memref<128x128xf32, #tpu.memory_space<vmem>>) offsets(%dma_start3A_293 : memref<128xi32, #tpu.memory_space<vmem>>) semaphore(%arg11 : memref<!tpu.dma_semaphore, #tpu.memory_space<semaphore_mem>>)
      } else {
      }
      %mul3A_155 = arith.constant 5 : i32
      %mul3A_156 = arith.muli %scan3A_72, %mul3A_155 : i32
      %add3A_157 = arith.constant 2 : i32
      %add3A_158 = arith.addi %mul3A_156, %add3A_157 : i32
      %dma_wait3A_159 = arith.constant 2 : i32
      %dma_wait3A_160 = arith.constant 0 : i32
      %dma_wait3A_161 = arith.constant 0 : i32
      %dma_wait3A_162 = tpu.memref_slice %arg6[%dma_wait3A_159, %dma_wait3A_160, %dma_wait3A_161] : memref<5x128x128xf32, #tpu.memory_space<vmem>> -> memref<1x128x128xf32, #tpu.memory_space<vmem>>
      %dma_wait3A_163 = tpu.memref_squeeze %dma_wait3A_162 : memref<1x128x128xf32, #tpu.memory_space<vmem>> -> memref<128x128xf32, #tpu.memory_space<vmem>>
      %dma_wait3A_164 = arith.constant 0 : i32
      %dma_wait3A_165 = tpu.memref_slice %arg5[%add3A_158, %dma_wait3A_164] : memref<200x128xi32, #tpu.memory_space<vmem>> -> memref<1x128xi32, #tpu.memory_space<vmem>>
      %dma_wait3A_166 = tpu.memref_squeeze %dma_wait3A_165 : memref<1x128xi32, #tpu.memory_space<vmem>> -> memref<128xi32, #tpu.memory_space<vmem>>
      %dma_wait3A_167 = arith.constant 0 : i32
      %dma_wait3A_168 = arith.constant 0 : i32
      %dma_wait3A_169 = tpu.memref_slice %arg2[%dma_wait3A_167, %dma_wait3A_168] : memref<100000x128xf32, #tpu.memory_space<hbm>> -> memref<100000x128xf32, #tpu.memory_space<hbm>>
      tpu.wait_indirect_dma semaphore(%arg9 : memref<!tpu.dma_semaphore, #tpu.memory_space<semaphore_mem>>) src(%dma_wait3A_169 : memref<100000x128xf32, #tpu.memory_space<hbm>>) dst(%dma_wait3A_163 : memref<128x128xf32, #tpu.memory_space<vmem>>)
      %mul3A_170 = arith.constant 128 : i32
      %mul3A_171 = arith.muli %add3A_158, %mul3A_170 : i32
      %add3A_172 = arith.addi %mul3A_2, %mul3A_171 : i32
      %dma_start3A_173 = arith.constant 2 : i32
      %dma_start3A_174 = arith.constant 0 : i32
      %dma_start3A_175 = arith.constant 0 : i32
      %dma_start3A_176 = tpu.memref_slice %arg6[%dma_start3A_173, %dma_start3A_174, %dma_start3A_175] : memref<5x128x128xf32, #tpu.memory_space<vmem>> -> memref<1x128x128xf32, #tpu.memory_space<vmem>>
      %dma_start3A_177 = tpu.memref_squeeze %dma_start3A_176 : memref<1x128x128xf32, #tpu.memory_space<vmem>> -> memref<128x128xf32, #tpu.memory_space<vmem>>
      %dma_start3A_178 = arith.constant 0 : i32
      %dma_start3A_179 = tpu.memref_slice %arg4[%add3A_172, %dma_start3A_178] : memref<819200x128xf32, #tpu.memory_space<hbm>> -> memref<128x128xf32, #tpu.memory_space<hbm>>
      %dma_start3A_180 = arith.constant 0 : i32
      %dma_start3A_181 = tpu.memref_slice %arg4[%add3A_172, %dma_start3A_180] : memref<819200x128xf32, #tpu.memory_space<hbm>> -> memref<128x128xf32, #tpu.memory_space<hbm>>
      %dma_start3A_182 = arith.constant 0 : i32
      %dma_start3A_183 = arith.constant 0 : i32
      %dma_start3A_184 = tpu.memref_slice %arg6[%dma_start3A_173, %dma_start3A_182, %dma_start3A_183] : memref<5x128x128xf32, #tpu.memory_space<vmem>> -> memref<1x128x128xf32, #tpu.memory_space<vmem>>
      %dma_start3A_185 = tpu.memref_squeeze %dma_start3A_184 : memref<1x128x128xf32, #tpu.memory_space<vmem>> -> memref<128x128xf32, #tpu.memory_space<vmem>>
      tpu.enqueue_dma source(%dma_start3A_185 : memref<128x128xf32, #tpu.memory_space<vmem>>) target(%dma_start3A_181 : memref<128x128xf32, #tpu.memory_space<hbm>>) target_semaphore(%arg14 : memref<!tpu.dma_semaphore, #tpu.memory_space<semaphore_mem>>)
      %ge3A_186 = arith.constant 2 : i32
      %ge3A_187 = arith.cmpi sge, %add3A_158, %ge3A_186 : i32
      %convert_element_type3A_188 = arith.extui %ge3A_187 : i1 to i32
      %cond3A_189 = arith.constant 0 : i32
      %cond3A_190 = arith.cmpi ne, %convert_element_type3A_188, %cond3A_189 : i32
      scf.if %cond3A_190 {
        %add3A_284 = arith.constant 3 : i32
        %add3A_285 = arith.addi %add3A_158, %add3A_284 : i32
        %sub3A = arith.constant 5 : i32
        %sub3A_286 = arith.subi %add3A_285, %sub3A : i32
        %mul3A_287 = arith.constant 128 : i32
        %mul3A_288 = arith.muli %sub3A_286, %mul3A_287 : i32
        %add3A_289 = arith.addi %mul3A_2, %mul3A_288 : i32
        %dma_wait3A_290 = arith.constant 0 : i32
        %dma_wait3A_291 = arith.constant 0 : i32
        %dma_wait3A_292 = arith.constant 0 : i32
        %dma_wait3A_293 = tpu.memref_slice %arg6[%dma_wait3A_290, %dma_wait3A_291, %dma_wait3A_292] : memref<5x128x128xf32, #tpu.memory_space<vmem>> -> memref<1x128x128xf32, #tpu.memory_space<vmem>>
        %dma_wait3A_294 = tpu.memref_squeeze %dma_wait3A_293 : memref<1x128x128xf32, #tpu.memory_space<vmem>> -> memref<128x128xf32, #tpu.memory_space<vmem>>
        %dma_wait3A_295 = arith.constant 0 : i32
        %dma_wait3A_296 = tpu.memref_slice %arg4[%add3A_289, %dma_wait3A_295] : memref<819200x128xf32, #tpu.memory_space<hbm>> -> memref<128x128xf32, #tpu.memory_space<hbm>>
        %dma_wait3A_297 = arith.constant 0 : i32
        %dma_wait3A_298 = tpu.memref_slice %arg4[%add3A_289, %dma_wait3A_297] : memref<819200x128xf32, #tpu.memory_space<hbm>> -> memref<128x128xf32, #tpu.memory_space<hbm>>
        %dma_wait3A_299 = arith.constant 0 : i32
        %dma_wait3A_300 = arith.constant 0 : i32
        %dma_wait3A_301 = tpu.memref_slice %arg6[%dma_wait3A_290, %dma_wait3A_299, %dma_wait3A_300] : memref<5x128x128xf32, #tpu.memory_space<vmem>> -> memref<1x128x128xf32, #tpu.memory_space<vmem>>
        %dma_wait3A_302 = tpu.memref_squeeze %dma_wait3A_301 : memref<1x128x128xf32, #tpu.memory_space<vmem>> -> memref<128x128xf32, #tpu.memory_space<vmem>>
        tpu.wait_dma2 semaphore(%arg12 : memref<!tpu.dma_semaphore, #tpu.memory_space<semaphore_mem>>) src(%dma_wait3A_302 : memref<128x128xf32, #tpu.memory_space<vmem>>) dst(%dma_wait3A_298 : memref<128x128xf32, #tpu.memory_space<hbm>>)
      } else {
      }
      %add3A_191 = arith.constant 3 : i32
      %add3A_192 = arith.addi %add3A_158, %add3A_191 : i32
      %lt3A_193 = arith.constant 200 : i32
      %lt3A_194 = arith.cmpi slt, %add3A_192, %lt3A_193 : i32
      %convert_element_type3A_195 = arith.extui %lt3A_194 : i1 to i32
      %cond3A_196 = arith.constant 0 : i32
      %cond3A_197 = arith.cmpi ne, %convert_element_type3A_195, %cond3A_196 : i32
      scf.if %cond3A_197 {
        %add3A_284 = arith.constant 3 : i32
        %add3A_285 = arith.addi %add3A_158, %add3A_284 : i32
        %dma_start3A_286 = arith.constant 0 : i32
        %dma_start3A_287 = arith.constant 0 : i32
        %dma_start3A_288 = arith.constant 0 : i32
        %dma_start3A_289 = tpu.memref_slice %arg6[%dma_start3A_286, %dma_start3A_287, %dma_start3A_288] : memref<5x128x128xf32, #tpu.memory_space<vmem>> -> memref<1x128x128xf32, #tpu.memory_space<vmem>>
        %dma_start3A_290 = tpu.memref_squeeze %dma_start3A_289 : memref<1x128x128xf32, #tpu.memory_space<vmem>> -> memref<128x128xf32, #tpu.memory_space<vmem>>
        %dma_start3A_291 = arith.constant 0 : i32
        %dma_start3A_292 = tpu.memref_slice %arg5[%add3A_285, %dma_start3A_291] : memref<200x128xi32, #tpu.memory_space<vmem>> -> memref<1x128xi32, #tpu.memory_space<vmem>>
        %dma_start3A_293 = tpu.memref_squeeze %dma_start3A_292 : memref<1x128xi32, #tpu.memory_space<vmem>> -> memref<128xi32, #tpu.memory_space<vmem>>
        %dma_start3A_294 = arith.constant 0 : i32
        %dma_start3A_295 = arith.constant 0 : i32
        %dma_start3A_296 = tpu.memref_slice %arg2[%dma_start3A_294, %dma_start3A_295] : memref<100000x128xf32, #tpu.memory_space<hbm>> -> memref<100000x128xf32, #tpu.memory_space<hbm>>
        tpu.enqueue_indirect_dma source(%dma_start3A_296 : memref<100000x128xf32, #tpu.memory_space<hbm>>) target(%dma_start3A_290 : memref<128x128xf32, #tpu.memory_space<vmem>>) offsets(%dma_start3A_293 : memref<128xi32, #tpu.memory_space<vmem>>) semaphore(%arg7 : memref<!tpu.dma_semaphore, #tpu.memory_space<semaphore_mem>>)
      } else {
      }
      %mul3A_198 = arith.constant 5 : i32
      %mul3A_199 = arith.muli %scan3A_72, %mul3A_198 : i32
      %add3A_200 = arith.constant 3 : i32
      %add3A_201 = arith.addi %mul3A_199, %add3A_200 : i32
      %dma_wait3A_202 = arith.constant 3 : i32
      %dma_wait3A_203 = arith.constant 0 : i32
      %dma_wait3A_204 = arith.constant 0 : i32
      %dma_wait3A_205 = tpu.memref_slice %arg6[%dma_wait3A_202, %dma_wait3A_203, %dma_wait3A_204] : memref<5x128x128xf32, #tpu.memory_space<vmem>> -> memref<1x128x128xf32, #tpu.memory_space<vmem>>
      %dma_wait3A_206 = tpu.memref_squeeze %dma_wait3A_205 : memref<1x128x128xf32, #tpu.memory_space<vmem>> -> memref<128x128xf32, #tpu.memory_space<vmem>>
      %dma_wait3A_207 = arith.constant 0 : i32
      %dma_wait3A_208 = tpu.memref_slice %arg5[%add3A_201, %dma_wait3A_207] : memref<200x128xi32, #tpu.memory_space<vmem>> -> memref<1x128xi32, #tpu.memory_space<vmem>>
      %dma_wait3A_209 = tpu.memref_squeeze %dma_wait3A_208 : memref<1x128xi32, #tpu.memory_space<vmem>> -> memref<128xi32, #tpu.memory_space<vmem>>
      %dma_wait3A_210 = arith.constant 0 : i32
      %dma_wait3A_211 = arith.constant 0 : i32
      %dma_wait3A_212 = tpu.memref_slice %arg2[%dma_wait3A_210, %dma_wait3A_211] : memref<100000x128xf32, #tpu.memory_space<hbm>> -> memref<100000x128xf32, #tpu.memory_space<hbm>>
      tpu.wait_indirect_dma semaphore(%arg10 : memref<!tpu.dma_semaphore, #tpu.memory_space<semaphore_mem>>) src(%dma_wait3A_212 : memref<100000x128xf32, #tpu.memory_space<hbm>>) dst(%dma_wait3A_206 : memref<128x128xf32, #tpu.memory_space<vmem>>)
      %mul3A_213 = arith.constant 128 : i32
      %mul3A_214 = arith.muli %add3A_201, %mul3A_213 : i32
      %add3A_215 = arith.addi %mul3A_2, %mul3A_214 : i32
      %dma_start3A_216 = arith.constant 3 : i32
      %dma_start3A_217 = arith.constant 0 : i32
      %dma_start3A_218 = arith.constant 0 : i32
      %dma_start3A_219 = tpu.memref_slice %arg6[%dma_start3A_216, %dma_start3A_217, %dma_start3A_218] : memref<5x128x128xf32, #tpu.memory_space<vmem>> -> memref<1x128x128xf32, #tpu.memory_space<vmem>>
      %dma_start3A_220 = tpu.memref_squeeze %dma_start3A_219 : memref<1x128x128xf32, #tpu.memory_space<vmem>> -> memref<128x128xf32, #tpu.memory_space<vmem>>
      %dma_start3A_221 = arith.constant 0 : i32
      %dma_start3A_222 = tpu.memref_slice %arg4[%add3A_215, %dma_start3A_221] : memref<819200x128xf32, #tpu.memory_space<hbm>> -> memref<128x128xf32, #tpu.memory_space<hbm>>
      %dma_start3A_223 = arith.constant 0 : i32
      %dma_start3A_224 = tpu.memref_slice %arg4[%add3A_215, %dma_start3A_223] : memref<819200x128xf32, #tpu.memory_space<hbm>> -> memref<128x128xf32, #tpu.memory_space<hbm>>
      %dma_start3A_225 = arith.constant 0 : i32
      %dma_start3A_226 = arith.constant 0 : i32
      %dma_start3A_227 = tpu.memref_slice %arg6[%dma_start3A_216, %dma_start3A_225, %dma_start3A_226] : memref<5x128x128xf32, #tpu.memory_space<vmem>> -> memref<1x128x128xf32, #tpu.memory_space<vmem>>
      %dma_start3A_228 = tpu.memref_squeeze %dma_start3A_227 : memref<1x128x128xf32, #tpu.memory_space<vmem>> -> memref<128x128xf32, #tpu.memory_space<vmem>>
      tpu.enqueue_dma source(%dma_start3A_228 : memref<128x128xf32, #tpu.memory_space<vmem>>) target(%dma_start3A_224 : memref<128x128xf32, #tpu.memory_space<hbm>>) target_semaphore(%arg15 : memref<!tpu.dma_semaphore, #tpu.memory_space<semaphore_mem>>)
      %ge3A_229 = arith.constant 2 : i32
      %ge3A_230 = arith.cmpi sge, %add3A_201, %ge3A_229 : i32
      %convert_element_type3A_231 = arith.extui %ge3A_230 : i1 to i32
      %cond3A_232 = arith.constant 0 : i32
      %cond3A_233 = arith.cmpi ne, %convert_element_type3A_231, %cond3A_232 : i32
      scf.if %cond3A_233 {
        %add3A_284 = arith.constant 3 : i32
        %add3A_285 = arith.addi %add3A_201, %add3A_284 : i32
        %sub3A = arith.constant 5 : i32
        %sub3A_286 = arith.subi %add3A_285, %sub3A : i32
        %mul3A_287 = arith.constant 128 : i32
        %mul3A_288 = arith.muli %sub3A_286, %mul3A_287 : i32
        %add3A_289 = arith.addi %mul3A_2, %mul3A_288 : i32
        %dma_wait3A_290 = arith.constant 1 : i32
        %dma_wait3A_291 = arith.constant 0 : i32
        %dma_wait3A_292 = arith.constant 0 : i32
        %dma_wait3A_293 = tpu.memref_slice %arg6[%dma_wait3A_290, %dma_wait3A_291, %dma_wait3A_292] : memref<5x128x128xf32, #tpu.memory_space<vmem>> -> memref<1x128x128xf32, #tpu.memory_space<vmem>>
        %dma_wait3A_294 = tpu.memref_squeeze %dma_wait3A_293 : memref<1x128x128xf32, #tpu.memory_space<vmem>> -> memref<128x128xf32, #tpu.memory_space<vmem>>
        %dma_wait3A_295 = arith.constant 0 : i32
        %dma_wait3A_296 = tpu.memref_slice %arg4[%add3A_289, %dma_wait3A_295] : memref<819200x128xf32, #tpu.memory_space<hbm>> -> memref<128x128xf32, #tpu.memory_space<hbm>>
        %dma_wait3A_297 = arith.constant 0 : i32
        %dma_wait3A_298 = tpu.memref_slice %arg4[%add3A_289, %dma_wait3A_297] : memref<819200x128xf32, #tpu.memory_space<hbm>> -> memref<128x128xf32, #tpu.memory_space<hbm>>
        %dma_wait3A_299 = arith.constant 0 : i32
        %dma_wait3A_300 = arith.constant 0 : i32
        %dma_wait3A_301 = tpu.memref_slice %arg6[%dma_wait3A_290, %dma_wait3A_299, %dma_wait3A_300] : memref<5x128x128xf32, #tpu.memory_space<vmem>> -> memref<1x128x128xf32, #tpu.memory_space<vmem>>
        %dma_wait3A_302 = tpu.memref_squeeze %dma_wait3A_301 : memref<1x128x128xf32, #tpu.memory_space<vmem>> -> memref<128x128xf32, #tpu.memory_space<vmem>>
        tpu.wait_dma2 semaphore(%arg13 : memref<!tpu.dma_semaphore, #tpu.memory_space<semaphore_mem>>) src(%dma_wait3A_302 : memref<128x128xf32, #tpu.memory_space<vmem>>) dst(%dma_wait3A_298 : memref<128x128xf32, #tpu.memory_space<hbm>>)
      } else {
      }
      %add3A_234 = arith.constant 3 : i32
      %add3A_235 = arith.addi %add3A_201, %add3A_234 : i32
      %lt3A_236 = arith.constant 200 : i32
      %lt3A_237 = arith.cmpi slt, %add3A_235, %lt3A_236 : i32
      %convert_element_type3A_238 = arith.extui %lt3A_237 : i1 to i32
      %cond3A_239 = arith.constant 0 : i32
      %cond3A_240 = arith.cmpi ne, %convert_element_type3A_238, %cond3A_239 : i32
      scf.if %cond3A_240 {
        %add3A_284 = arith.constant 3 : i32
        %add3A_285 = arith.addi %add3A_201, %add3A_284 : i32
        %dma_start3A_286 = arith.constant 1 : i32
        %dma_start3A_287 = arith.constant 0 : i32
        %dma_start3A_288 = arith.constant 0 : i32
        %dma_start3A_289 = tpu.memref_slice %arg6[%dma_start3A_286, %dma_start3A_287, %dma_start3A_288] : memref<5x128x128xf32, #tpu.memory_space<vmem>> -> memref<1x128x128xf32, #tpu.memory_space<vmem>>
        %dma_start3A_290 = tpu.memref_squeeze %dma_start3A_289 : memref<1x128x128xf32, #tpu.memory_space<vmem>> -> memref<128x128xf32, #tpu.memory_space<vmem>>
        %dma_start3A_291 = arith.constant 0 : i32
        %dma_start3A_292 = tpu.memref_slice %arg5[%add3A_285, %dma_start3A_291] : memref<200x128xi32, #tpu.memory_space<vmem>> -> memref<1x128xi32, #tpu.memory_space<vmem>>
        %dma_start3A_293 = tpu.memref_squeeze %dma_start3A_292 : memref<1x128xi32, #tpu.memory_space<vmem>> -> memref<128xi32, #tpu.memory_space<vmem>>
        %dma_start3A_294 = arith.constant 0 : i32
        %dma_start3A_295 = arith.constant 0 : i32
        %dma_start3A_296 = tpu.memref_slice %arg2[%dma_start3A_294, %dma_start3A_295] : memref<100000x128xf32, #tpu.memory_space<hbm>> -> memref<100000x128xf32, #tpu.memory_space<hbm>>
        tpu.enqueue_indirect_dma source(%dma_start3A_296 : memref<100000x128xf32, #tpu.memory_space<hbm>>) target(%dma_start3A_290 : memref<128x128xf32, #tpu.memory_space<vmem>>) offsets(%dma_start3A_293 : memref<128xi32, #tpu.memory_space<vmem>>) semaphore(%arg8 : memref<!tpu.dma_semaphore, #tpu.memory_space<semaphore_mem>>)
      } else {
      }
      %mul3A_241 = arith.constant 5 : i32
      %mul3A_242 = arith.muli %scan3A_72, %mul3A_241 : i32
      %add3A_243 = arith.constant 4 : i32
      %add3A_244 = arith.addi %mul3A_242, %add3A_243 : i32
      %dma_wait3A_245 = arith.constant 4 : i32
      %dma_wait3A_246 = arith.constant 0 : i32
      %dma_wait3A_247 = arith.constant 0 : i32
      %dma_wait3A_248 = tpu.memref_slice %arg6[%dma_wait3A_245, %dma_wait3A_246, %dma_wait3A_247] : memref<5x128x128xf32, #tpu.memory_space<vmem>> -> memref<1x128x128xf32, #tpu.memory_space<vmem>>
      %dma_wait3A_249 = tpu.memref_squeeze %dma_wait3A_248 : memref<1x128x128xf32, #tpu.memory_space<vmem>> -> memref<128x128xf32, #tpu.memory_space<vmem>>
      %dma_wait3A_250 = arith.constant 0 : i32
      %dma_wait3A_251 = tpu.memref_slice %arg5[%add3A_244, %dma_wait3A_250] : memref<200x128xi32, #tpu.memory_space<vmem>> -> memref<1x128xi32, #tpu.memory_space<vmem>>
      %dma_wait3A_252 = tpu.memref_squeeze %dma_wait3A_251 : memref<1x128xi32, #tpu.memory_space<vmem>> -> memref<128xi32, #tpu.memory_space<vmem>>
      %dma_wait3A_253 = arith.constant 0 : i32
      %dma_wait3A_254 = arith.constant 0 : i32
      %dma_wait3A_255 = tpu.memref_slice %arg2[%dma_wait3A_253, %dma_wait3A_254] : memref<100000x128xf32, #tpu.memory_space<hbm>> -> memref<100000x128xf32, #tpu.memory_space<hbm>>
      tpu.wait_indirect_dma semaphore(%arg11 : memref<!tpu.dma_semaphore, #tpu.memory_space<semaphore_mem>>) src(%dma_wait3A_255 : memref<100000x128xf32, #tpu.memory_space<hbm>>) dst(%dma_wait3A_249 : memref<128x128xf32, #tpu.memory_space<vmem>>)
      %mul3A_256 = arith.constant 128 : i32
      %mul3A_257 = arith.muli %add3A_244, %mul3A_256 : i32
      %add3A_258 = arith.addi %mul3A_2, %mul3A_257 : i32
      %dma_start3A_259 = arith.constant 4 : i32
      %dma_start3A_260 = arith.constant 0 : i32
      %dma_start3A_261 = arith.constant 0 : i32
      %dma_start3A_262 = tpu.memref_slice %arg6[%dma_start3A_259, %dma_start3A_260, %dma_start3A_261] : memref<5x128x128xf32, #tpu.memory_space<vmem>> -> memref<1x128x128xf32, #tpu.memory_space<vmem>>
      %dma_start3A_263 = tpu.memref_squeeze %dma_start3A_262 : memref<1x128x128xf32, #tpu.memory_space<vmem>> -> memref<128x128xf32, #tpu.memory_space<vmem>>
      %dma_start3A_264 = arith.constant 0 : i32
      %dma_start3A_265 = tpu.memref_slice %arg4[%add3A_258, %dma_start3A_264] : memref<819200x128xf32, #tpu.memory_space<hbm>> -> memref<128x128xf32, #tpu.memory_space<hbm>>
      %dma_start3A_266 = arith.constant 0 : i32
      %dma_start3A_267 = tpu.memref_slice %arg4[%add3A_258, %dma_start3A_266] : memref<819200x128xf32, #tpu.memory_space<hbm>> -> memref<128x128xf32, #tpu.memory_space<hbm>>
      %dma_start3A_268 = arith.constant 0 : i32
      %dma_start3A_269 = arith.constant 0 : i32
      %dma_start3A_270 = tpu.memref_slice %arg6[%dma_start3A_259, %dma_start3A_268, %dma_start3A_269] : memref<5x128x128xf32, #tpu.memory_space<vmem>> -> memref<1x128x128xf32, #tpu.memory_space<vmem>>
      %dma_start3A_271 = tpu.memref_squeeze %dma_start3A_270 : memref<1x128x128xf32, #tpu.memory_space<vmem>> -> memref<128x128xf32, #tpu.memory_space<vmem>>
      tpu.enqueue_dma source(%dma_start3A_271 : memref<128x128xf32, #tpu.memory_space<vmem>>) target(%dma_start3A_267 : memref<128x128xf32, #tpu.memory_space<hbm>>) target_semaphore(%arg16 : memref<!tpu.dma_semaphore, #tpu.memory_space<semaphore_mem>>)
      %ge3A_272 = arith.constant 2 : i32
      %ge3A_273 = arith.cmpi sge, %add3A_244, %ge3A_272 : i32
      %convert_element_type3A_274 = arith.extui %ge3A_273 : i1 to i32
      %cond3A_275 = arith.constant 0 : i32
      %cond3A_276 = arith.cmpi ne, %convert_element_type3A_274, %cond3A_275 : i32
      scf.if %cond3A_276 {
        %add3A_284 = arith.constant 3 : i32
        %add3A_285 = arith.addi %add3A_244, %add3A_284 : i32
        %sub3A = arith.constant 5 : i32
        %sub3A_286 = arith.subi %add3A_285, %sub3A : i32
        %mul3A_287 = arith.constant 128 : i32
        %mul3A_288 = arith.muli %sub3A_286, %mul3A_287 : i32
        %add3A_289 = arith.addi %mul3A_2, %mul3A_288 : i32
        %dma_wait3A_290 = arith.constant 2 : i32
        %dma_wait3A_291 = arith.constant 0 : i32
        %dma_wait3A_292 = arith.constant 0 : i32
        %dma_wait3A_293 = tpu.memref_slice %arg6[%dma_wait3A_290, %dma_wait3A_291, %dma_wait3A_292] : memref<5x128x128xf32, #tpu.memory_space<vmem>> -> memref<1x128x128xf32, #tpu.memory_space<vmem>>
        %dma_wait3A_294 = tpu.memref_squeeze %dma_wait3A_293 : memref<1x128x128xf32, #tpu.memory_space<vmem>> -> memref<128x128xf32, #tpu.memory_space<vmem>>
        %dma_wait3A_295 = arith.constant 0 : i32
        %dma_wait3A_296 = tpu.memref_slice %arg4[%add3A_289, %dma_wait3A_295] : memref<819200x128xf32, #tpu.memory_space<hbm>> -> memref<128x128xf32, #tpu.memory_space<hbm>>
        %dma_wait3A_297 = arith.constant 0 : i32
        %dma_wait3A_298 = tpu.memref_slice %arg4[%add3A_289, %dma_wait3A_297] : memref<819200x128xf32, #tpu.memory_space<hbm>> -> memref<128x128xf32, #tpu.memory_space<hbm>>
        %dma_wait3A_299 = arith.constant 0 : i32
        %dma_wait3A_300 = arith.constant 0 : i32
        %dma_wait3A_301 = tpu.memref_slice %arg6[%dma_wait3A_290, %dma_wait3A_299, %dma_wait3A_300] : memref<5x128x128xf32, #tpu.memory_space<vmem>> -> memref<1x128x128xf32, #tpu.memory_space<vmem>>
        %dma_wait3A_302 = tpu.memref_squeeze %dma_wait3A_301 : memref<1x128x128xf32, #tpu.memory_space<vmem>> -> memref<128x128xf32, #tpu.memory_space<vmem>>
        tpu.wait_dma2 semaphore(%arg14 : memref<!tpu.dma_semaphore, #tpu.memory_space<semaphore_mem>>) src(%dma_wait3A_302 : memref<128x128xf32, #tpu.memory_space<vmem>>) dst(%dma_wait3A_298 : memref<128x128xf32, #tpu.memory_space<hbm>>)
      } else {
      }
      %add3A_277 = arith.constant 3 : i32
      %add3A_278 = arith.addi %add3A_244, %add3A_277 : i32
      %lt3A_279 = arith.constant 200 : i32
      %lt3A_280 = arith.cmpi slt, %add3A_278, %lt3A_279 : i32
      %convert_element_type3A_281 = arith.extui %lt3A_280 : i1 to i32
      %cond3A_282 = arith.constant 0 : i32
      %cond3A_283 = arith.cmpi ne, %convert_element_type3A_281, %cond3A_282 : i32
      scf.if %cond3A_283 {
        %add3A_284 = arith.constant 3 : i32
        %add3A_285 = arith.addi %add3A_244, %add3A_284 : i32
        %dma_start3A_286 = arith.constant 2 : i32
        %dma_start3A_287 = arith.constant 0 : i32
        %dma_start3A_288 = arith.constant 0 : i32
        %dma_start3A_289 = tpu.memref_slice %arg6[%dma_start3A_286, %dma_start3A_287, %dma_start3A_288] : memref<5x128x128xf32, #tpu.memory_space<vmem>> -> memref<1x128x128xf32, #tpu.memory_space<vmem>>
        %dma_start3A_290 = tpu.memref_squeeze %dma_start3A_289 : memref<1x128x128xf32, #tpu.memory_space<vmem>> -> memref<128x128xf32, #tpu.memory_space<vmem>>
        %dma_start3A_291 = arith.constant 0 : i32
        %dma_start3A_292 = tpu.memref_slice %arg5[%add3A_285, %dma_start3A_291] : memref<200x128xi32, #tpu.memory_space<vmem>> -> memref<1x128xi32, #tpu.memory_space<vmem>>
        %dma_start3A_293 = tpu.memref_squeeze %dma_start3A_292 : memref<1x128xi32, #tpu.memory_space<vmem>> -> memref<128xi32, #tpu.memory_space<vmem>>
        %dma_start3A_294 = arith.constant 0 : i32
        %dma_start3A_295 = arith.constant 0 : i32
        %dma_start3A_296 = tpu.memref_slice %arg2[%dma_start3A_294, %dma_start3A_295] : memref<100000x128xf32, #tpu.memory_space<hbm>> -> memref<100000x128xf32, #tpu.memory_space<hbm>>
        tpu.enqueue_indirect_dma source(%dma_start3A_296 : memref<100000x128xf32, #tpu.memory_space<hbm>>) target(%dma_start3A_290 : memref<128x128xf32, #tpu.memory_space<vmem>>) offsets(%dma_start3A_293 : memref<128xi32, #tpu.memory_space<vmem>>) semaphore(%arg9 : memref<!tpu.dma_semaphore, #tpu.memory_space<semaphore_mem>>)
      } else {
      }
    }
    %scan3A_42 = arith.constant 40 : i32
    %add3A_43 = arith.constant 25344 : i32
    %add3A_44 = arith.addi %mul3A_2, %add3A_43 : i32
    %dma_wait3A = arith.constant 3 : i32
    %dma_wait3A_45 = arith.constant 0 : i32
    %dma_wait3A_46 = arith.constant 0 : i32
    %dma_wait3A_47 = tpu.memref_slice %arg6[%dma_wait3A, %dma_wait3A_45, %dma_wait3A_46] : memref<5x128x128xf32, #tpu.memory_space<vmem>> -> memref<1x128x128xf32, #tpu.memory_space<vmem>>
    %dma_wait3A_48 = tpu.memref_squeeze %dma_wait3A_47 : memref<1x128x128xf32, #tpu.memory_space<vmem>> -> memref<128x128xf32, #tpu.memory_space<vmem>>
    %dma_wait3A_49 = arith.constant 0 : i32
    %dma_wait3A_50 = tpu.memref_slice %arg4[%add3A_44, %dma_wait3A_49] : memref<819200x128xf32, #tpu.memory_space<hbm>> -> memref<128x128xf32, #tpu.memory_space<hbm>>
    %dma_wait3A_51 = arith.constant 0 : i32
    %dma_wait3A_52 = tpu.memref_slice %arg4[%add3A_44, %dma_wait3A_51] : memref<819200x128xf32, #tpu.memory_space<hbm>> -> memref<128x128xf32, #tpu.memory_space<hbm>>
    %dma_wait3A_53 = arith.constant 0 : i32
    %dma_wait3A_54 = arith.constant 0 : i32
    %dma_wait3A_55 = tpu.memref_slice %arg6[%dma_wait3A, %dma_wait3A_53, %dma_wait3A_54] : memref<5x128x128xf32, #tpu.memory_space<vmem>> -> memref<1x128x128xf32, #tpu.memory_space<vmem>>
    %dma_wait3A_56 = tpu.memref_squeeze %dma_wait3A_55 : memref<1x128x128xf32, #tpu.memory_space<vmem>> -> memref<128x128xf32, #tpu.memory_space<vmem>>
    tpu.wait_dma2 semaphore(%arg15 : memref<!tpu.dma_semaphore, #tpu.memory_space<semaphore_mem>>) src(%dma_wait3A_56 : memref<128x128xf32, #tpu.memory_space<vmem>>) dst(%dma_wait3A_52 : memref<128x128xf32, #tpu.memory_space<hbm>>)
    %add3A_57 = arith.constant 25472 : i32
    %add3A_58 = arith.addi %mul3A_2, %add3A_57 : i32
    %dma_wait3A_59 = arith.constant 4 : i32
    %dma_wait3A_60 = arith.constant 0 : i32
    %dma_wait3A_61 = arith.constant 0 : i32
    %dma_wait3A_62 = tpu.memref_slice %arg6[%dma_wait3A_59, %dma_wait3A_60, %dma_wait3A_61] : memref<5x128x128xf32, #tpu.memory_space<vmem>> -> memref<1x128x128xf32, #tpu.memory_space<vmem>>
    %dma_wait3A_63 = tpu.memref_squeeze %dma_wait3A_62 : memref<1x128x128xf32, #tpu.memory_space<vmem>> -> memref<128x128xf32, #tpu.memory_space<vmem>>
    %dma_wait3A_64 = arith.constant 0 : i32
    %dma_wait3A_65 = tpu.memref_slice %arg4[%add3A_58, %dma_wait3A_64] : memref<819200x128xf32, #tpu.memory_space<hbm>> -> memref<128x128xf32, #tpu.memory_space<hbm>>
    %dma_wait3A_66 = arith.constant 0 : i32
    %dma_wait3A_67 = tpu.memref_slice %arg4[%add3A_58, %dma_wait3A_66] : memref<819200x128xf32, #tpu.memory_space<hbm>> -> memref<128x128xf32, #tpu.memory_space<hbm>>
    %dma_wait3A_68 = arith.constant 0 : i32
    %dma_wait3A_69 = arith.constant 0 : i32
    %dma_wait3A_70 = tpu.memref_slice %arg6[%dma_wait3A_59, %dma_wait3A_68, %dma_wait3A_69] : memref<5x128x128xf32, #tpu.memory_space<vmem>> -> memref<1x128x128xf32, #tpu.memory_space<vmem>>
    %dma_wait3A_71 = tpu.memref_squeeze %dma_wait3A_70 : memref<1x128x128xf32, #tpu.memory_space<vmem>> -> memref<128x128xf32, #tpu.memory_space<vmem>>
    tpu.wait_dma2 semaphore(%arg16 : memref<!tpu.dma_semaphore, #tpu.memory_space<semaphore_mem>>) src(%dma_wait3A_71 : memref<128x128xf32, #tpu.memory_space<vmem>>) dst(%dma_wait3A_67 : memref<128x128xf32, #tpu.memory_space<hbm>>)
    return
  }
}

module attributes {stable_mosaic.version = 14 : i64} {
  func.func @_scale_body(%arg0: i32, %arg1: memref<2000x128xf32, #tpu.memory_space<vmem>>, %arg2: memref<2000x128xf32, #tpu.memory_space<vmem>>) attributes {dimension_semantics = [#tpu.dimension_semantics<arbitrary>], iteration_bounds = array<i64: 50>, scalar_prefetch = 0 : i64, scratch_operands = 0 : i64, tpu.core_type = #tpu.core_type<tc>, window_params = [{transform_indices = @transform_0, window_bounds = array<i64: 2000, 128>}, {transform_indices = @transform_1, window_bounds = array<i64: 2000, 128>}]} {
    %get3A = arith.constant 0 : index
    %get3A_0 = arith.constant 0 : index
    %get3A_1 = vector.load %arg1[%get3A, %get3A_0] : memref<2000x128xf32, #tpu.memory_space<vmem>>, vector<2000x128xf32>
    %mul3A = arith.constant 11.3137083 : f32
    %mul3A_2 = vector.broadcast %mul3A : f32 to vector<2000x128xf32>
    %mul3A_3 = arith.mulf %get3A_1, %mul3A_2 : vector<2000x128xf32>
    %swap3A = arith.constant 0 : index
    %swap3A_4 = arith.constant 0 : index
    %swap3A_5 = vector.load %arg2[%swap3A, %swap3A_4] : memref<2000x128xf32, #tpu.memory_space<vmem>>, vector<2000x128xf32>
    tpu.vector_store %arg2[%swap3A, %swap3A_4], %mul3A_3 {strides = array<i32>} : memref<2000x128xf32, #tpu.memory_space<vmem>>, vector<2000x128xf32>,
    return
  }
  func.func @transform_0(%arg0: i32) -> (i32, i32) {
    %c0_i32 = arith.constant 0 : i32
    %c0_i32_0 = arith.constant 0 : i32
    return %arg0, %c0_i32 : i32, i32
  }
  func.func @transform_1(%arg0: i32) -> (i32, i32) {
    %c0_i32 = arith.constant 0 : i32
    %c0_i32_0 = arith.constant 0 : i32
    return %arg0, %c0_i32 : i32, i32
  }
}

</mosaic_0001>

<sc_bundles>
// kernel: kernel.4.cloned.1.call-start
scs
__scs_entry_jumppad:
0x0: {  	(pc) =	sbr.rel $0x88, $3  }
0x1: {  	(tag) =	ssettag $0x0;
	lr =	simm.s32 $0x1  }
0x2: {  	[smem:$0x3F9F] =	sst lr;
	_ =	strace $0xD0000000  }
0x3: {  	_ = 	snop  }
0x4: {  	_ = 	snop  }
0x5: {  	_ = 	snop  }
0x6: {  	_ = 	snop  }
0x7: {  	_ = 	snop  }
__scs_overlays_trampoline_lowered:
0x8: {  	[smem:$0x3FAE] =	sst s0  }
0x9: {  	[smem:$0x3FAF] =	sst s1  }
0xa: {  	[smem:$0x3FB0] =	sst s2  }
0xb: {  	[smem:$0x3FB1] =	sst s3  }
0xc: {  	[smem:$0x3FB2] =	sst s4  }
0xd: {  	[smem:$0x3FB3] =	sst s5  }
0xe: {  	[smem:$0x3FB4] =	sst s6  }
0xf: {  	[smem:$0x3FB5] =	sst s7  }
0x10: {  	[smem:$0x3FB6] =	sst s8  }
0x11: {  	[smem:$0x3FB7] =	sst s9;
	s0 =	simm.s32 @!p0 $0x0  }
0x12: {  	s1 =	sld [smem:$0x3F9D];
	s0 =	simm.s32 @p0 $0x1  }
0x13: {  	[smem:$0x3FB8] =	sst s0;
	s0 =	simm.s32 @!p1 $0x0  }
0x14: {  	s2 =	sld [smem:$0x3F9C];
	s0 =	simm.s32 @p1 $0x1  }
0x15: {  	[smem:$0x3FB9] =	sst s0;
	s0 =	simm.s32 @!p2 $0x0  }
0x16: {  	s3 =	sld [smem:$0x3FDB];
	s0 =	simm.s32 @p2 $0x1  }
0x17: {  	s4 =	simm.s32 $0x1BF5;
	[smem:$0x3FBB] =	sst s0  }
0x18: {  	s0 =	sld [smem:$0x3F9E];
	_ =	swait.ge [sflag:s4], $0x0  }
0x19: {  	s7 =	sld [smem:$0x3F9F]  }
0x1a: {  	s8 =	sadd.s32 $0xFFFFE003, lr  }
0x1b: {  	s9 =	sadd.s32 $0xFFFFFEF7, lr;
	s5 =	simm.s32 $0xFFFFFFFF;
	p2 =	slt.u32 s8, $0xFFFFF086  }
0x1c: {  	p1 =	slt.u32 s9, $0xF7A;
	s5 =	simm.s32 @!p2 $0x0  }
0x1d: {  	s5 =	simm.s32 @p1 $0x1;
	p0 =	seq.s32 s7, s2  }
0x1e: {  	s7 =	smul.u32 @!p0 $0xF7A, s2;
	p2 =	seq.s32 @!p0 s5, $0x0  }
0x1f: {  	s9 =	smul.u32 $0xF7A, s1;
	s8 =	simm.s32 @!p0 $0x1BF5;
	p2 =	por !p2, p0  }
0x20: {  	[sflag:s8] =	ssyncset.s32 @!p0 $0xFFFFF086;
	s6 =	sadd.s32 @!p0 s3, s7;
	s7 =	simm.s32 @!p0 $0x108  }
0x21: {  	s3 =	sadd.s32 s3, s9;
	s6 =	sadd.s32 @!p0 $0x88, s6;
	s7 =	simm.s32 @p2 $0x1082  }
0x22: {  	[simem:s7], [sflag:s8] =	dma.local @!p0 [hbm:s6], $0xF7A  }
0x23: {  	s9 =	sor.u32 $0xD0000000, s2;
	s6 =	simm.s32 $0x108;
	_ =	swait.ge @!p0 [sflag:s8], $0x0  }
0x24: {  	s3 =	sadd.s32 $0x88, s3;
	s6 =	simm.s32 @!p1 $0x1082;
	[sflag:s4] =	ssyncset.s32 $0xFFFFF086  }
0x25: {  	[simem:s6], [sflag:s4] =	dma.local [hbm:s3], $0xF7A  }
0x26: {  	[smem:$0x3F9F] =	sst s1;
	(tag) =	ssettag s2;
	_ =	strace s9  }
0x27: {  	s1 =	sld [smem:$0x3FAF]  }
0x28: {  	s2 =	sld [smem:$0x3FB0]  }
0x29: {  	s4 =	sld [smem:$0x3FB2]  }
0x2a: {  	p0 =	seq.s32 s5, $0x0;
	s5 =	sld [smem:$0x3FB3]  }
0x2b: {  	s6 =	sld [smem:$0x3FB4]  }
0x2c: {  	s7 =	sld [smem:$0x3FB5]  }
0x2d: {  	s3 =	simm.s32 $0x108;
	s8 =	sld [smem:$0x3FB6]  }
0x2e: {  	s3 =	simm.s32 @!p0 $0x1082;
	s9 =	sld [smem:$0x3FB7]  }
0x2f: {  	lr =	sadd.s32 s0, s3;
	s0 =	sld [smem:$0x3FAE]  }
0x30: {  	s3 =	sld [smem:$0x3FB1]  }
0x31: {  	[smem:$0x3FBA] =	sst s10  }
0x32: {  	s10 =	sld [smem:$0x3FB8];
	_ =	sdelay $0x3  }
0x33: {  	p0 =	seq.s32 s10, $0x1;
	s10 =	sld [smem:$0x3FBA];
	_ =	sdelay $0x3  }
0x34: {  	[smem:$0x3FBA] =	sst s10  }
0x35: {  	s10 =	sld [smem:$0x3FB9];
	_ =	sdelay $0x3  }
0x36: {  	p1 =	seq.s32 s10, $0x1;
	s10 =	sld [smem:$0x3FBA];
	_ =	sdelay $0x3  }
0x37: {  	[smem:$0x3FBA] =	sst s10  }
0x38: {  	s10 =	sld [smem:$0x3FBB]  }
0x39: {  	_ = 	snop;
	(pc) =	sbr.ind lr, $3  }
0x3a: {  	_ = 	snop  }
0x3b: {  	_ = 	snop  }
0x3c: {  	p2 =	seq.s32 s10, $0x1;
	s10 =	sld [smem:$0x3FBA]  }
0x3d: {  	_ =	shalt  }
0x3e: {  	_ =	shalt  }
0x3f: {  	_ =	shalt  }
0x40: {  	_ =	shalt  }
0x41: {  	_ =	shalt  }
0x42: {  	_ =	shalt  }
0x43: {  	_ =	shalt  }
0x44: {  	_ =	shalt  }
0x45: {  	_ =	shalt  }
0x46: {  	_ =	shalt  }
0x47: {  	_ =	shalt  }
0x48: {  	_ =	shalt  }
0x49: {  	_ =	shalt  }
0x4a: {  	_ =	shalt  }
0x4b: {  	_ =	shalt  }
0x4c: {  	_ =	shalt  }
0x4d: {  	_ =	shalt  }
0x4e: {  	_ =	shalt  }
0x4f: {  	_ =	shalt  }
0x50: {  	_ =	shalt  }
0x51: {  	_ =	shalt  }
0x52: {  	_ =	shalt  }
0x53: {  	_ =	shalt  }
0x54: {  	_ =	shalt  }
0x55: {  	_ =	shalt  }
0x56: {  	_ =	shalt  }
0x57: {  	_ =	shalt  }
0x58: {  	_ =	shalt  }
0x59: {  	_ =	shalt  }
0x5a: {  	_ =	shalt  }
0x5b: {  	_ =	shalt  }
0x5c: {  	_ =	shalt  }
0x5d: {  	_ =	shalt  }
0x5e: {  	_ =	shalt  }
0x5f: {  	_ =	shalt  }
0x60: {  	_ =	shalt  }
0x61: {  	_ =	shalt  }
0x62: {  	_ =	shalt  }
0x63: {  	_ =	shalt  }
0x64: {  	_ =	shalt  }
0x65: {  	_ =	shalt  }
0x66: {  	_ =	shalt  }
0x67: {  	_ =	shalt  }
0x68: {  	_ =	shalt  }
0x69: {  	_ =	shalt  }
0x6a: {  	_ =	shalt  }
0x6b: {  	_ =	shalt  }
0x6c: {  	_ =	shalt  }
0x6d: {  	_ =	shalt  }
0x6e: {  	_ =	shalt  }
0x6f: {  	_ =	shalt  }
0x70: {  	_ =	shalt  }
0x71: {  	_ =	shalt  }
0x72: {  	_ =	shalt  }
0x73: {  	_ =	shalt  }
0x74: {  	_ =	shalt  }
0x75: {  	_ =	shalt  }
0x76: {  	_ =	shalt  }
0x77: {  	_ =	shalt  }
0x78: {  	_ =	shalt  }
0x79: {  	_ =	shalt  }
0x7a: {  	_ =	shalt  }
0x7b: {  	_ =	shalt  }
0x7c: {  	_ =	shalt  }
0x7d: {  	_ =	shalt  }
0x7e: {  	_ =	shalt  }
0x7f: {  	_ =	shalt  }
0x80: {  	_ =	shalt  }
0x81: {  	_ =	shalt  }
0x82: {  	_ =	shalt  }
0x83: {  	_ =	shalt  }
0x84: {  	_ =	shalt  }
0x85: {  	_ =	shalt  }
0x86: {  	_ =	shalt  }
0x87: {  	_ =	shalt  }
.Lfunc_end0:
.L_simem_size_0:
called_computation_lowered:
.L_overlay_start_0:
0x88: {  	s2 =	sld [smem:$0x3FD9]  }
0x89: {  	s3 =	sld [smem:$0x3FFE];
	_ =	sdelay $0x1  }
0x8a: {  	s1 =	srdreg.scid  }
0x8b: {  	s0 =	sand.u32 $0x1, s1  }
0x8c: {  	s17 =	sshll.u32 s0, $0xA;
	s2 =	sadd.s32 s3, s2  }
0x8d: {  	s2 =	sadd.s32 s2, s17  }
0x8e: {  	[smem:$0x3FC6] =	sst s2  }
0x8f: {  	_ = 	snop  }
0x90: {  	s2 =	sld [smem:$0x3FD0];
	(tm) =	ssettm $0x1  }
0x91: {  	s18 =	sld [smem:$0x3FFB];
	_ =	sdelay $0x3  }
0x92: {  	_ =	strace s18  }
0x93: {  	s3 =	sld [smem:$0x3FFC];
	_ =	sdelay $0x3  }
0x94: {  	_ =	strace s3  }
0x95: {  	s3 =	sld [smem:$0x3FFD];
	_ =	sdelay $0x3  }
0x96: {  	_ =	strace s3  }
0x97: {  	_ =	strace $0x8FFFFFFF  }
0x98: {  	s19 =	sld [smem:$0x3FDB];
	_ =	sdelay $0x1  }
0x99: {  	s4 =	simm.s32 $_scs_section_size  }
0x9a: {  	s5 =	simm.s32 $_size__tile_overlayer_lowered;
	s6 =	simm.s32 $_tile_overlayer_lowered  }
0x9b: {  	s22 =	simm.s32 $0x1BFF;
	s21 =	sshll.u32 s6, $0x1;
	s3 =	sadd.s32 s4, s19  }
0x9c: {  	s7 =	simm.s32 $0x0;
	s20 =	sshll.u32 s5, $0x1;
	s5 =	sadd.s32 s21, s3  }
0x9d: {  	[timem:s7], [sflag:s22] =	dma.local [hbm:s5], s20  }
0x9e: {  	_ =	swait.ge [sflag:s22], s20  }
0x9f: {  	s4 =	ssub.s32 $0x0, s20;
	[sflag:s22] =	ssyncset.done $0x0  }
0xa0: {  	[sflag:s22] =	ssyncadd.s32 s4;
	_ =	sdelay $0x1  }
0xa1: {  	s23 =	simm.s32 $0x1B8B  }
0xa2: {  	_ =	swait.ge [sflag:s23], $0x1  }
0xa3: {  	[sflag:s23] =	ssyncset.done $0x0  }
0xa4: {  	s25 =	simm.s32 $0x1B8E;
	s24 =	sld [smem:$0x3FFE];
	[sflag:s23] =	ssyncadd.s32 $0xFFFFFFFF  }
0xa5: {  	s26 =	simm.s32 $execute0_lowered;
	[smem:$0x3FD2] =	sst s25  }
0xa6: {  	s5 =	sshll.u32 s26, $0x1;
	_ =	strace $0x80000046;
	[dreg:$0x1] =	wrdreg $0xFFFFFFFF  }
0xa7: {  	s28 =	simm.s32 $_size_execute0_lowered;
	s3 =	sadd.s32 s3, s5;
	[dreg:$0x0] =	wrdreg $0x0  }
0xa8: {  	s5 =	sshll.u32 s28, $0x1;
	[dreg:$0x2] =	wrdreg s3  }
0xa9: {  	[dreg:$0x3] =	wrdreg s5  }
0xaa: {  	[dreg:$0x4] =	wrdreg $0xC0  }
0xab: {  	_ =	task [dreg:s7], $0x5FFFF  }
0xac: {  	[dreg:$0x1] =	wrdreg $0xFFFFFFFF  }
0xad: {  	[dreg:$0x0] =	wrdreg $0x60  }
0xae: {  	[dreg:$0x2] =	wrdreg s24  }
0xaf: {  	[dreg:$0x3] =	wrdreg s2  }
0xb0: {  	[dreg:$0x4] =	wrdreg $0x9  }
0xb1: {  	_ =	task.clear_ibuf [dreg:s7], $0x5FFFF;
	_ =	strace $0x90000046  }
0xb2: {  	s29 =	simm.s32 $0x9;
	_ =	strace $0x80000048  }
0xb3: {  	_ =	swait.ge [sflag:s29], $0x1  }
0xb4: {  	[sflag:s29] =	ssyncadd.s32 $0xFFFFFFFF  }
0xb5: {  	_ =	strace $0x90000048  }
0xb6: {  	_ =	sfence  }
0xb7: {  	s30 =	sld [smem:$0x0];
	_ =	sdelay $0x2  }
0xb8: {  	s31 =	sshll.u32 s1, $0xD;
	s1 =	sshrl.u32 s1, $0x2  }
0xb9: {  	s3 =	sand.u32 $0x4000, s31;
	s1 =	sadd.s32 s1, s30  }
0xba: {  	s0 =	sor.u32 s3, s0;
	s1 =	sshll.u32 s1, $0x11  }
0xbb: {  	s0 =	sor.u32 s1, s0  }
0xbc: {  	s0 =	sadd.s32 $0x8F2B, s0  }
0xbd: {  	[sflag:s0] =	ssyncadd.remote.s32 $0x1  }
0xbe: {  	_ =	sfence.sel $0xFFFF  }
0xbf: {  	[dreg:$0x0] =	wrdreg $0xFFFFFFFF;
	(pc) =	sbr.abs _section_cstart, $3  }
0xc0: {  	[dreg:$0x1] =	wrdreg $0xFFFFFFFF  }
0xc1: {  	_ =	task.clear_ibuf [dreg:s7], $0x2FFFF;
	_ =	strace $0x9FFFFFFF  }
0xc2: {  	(tm) =	ssettm $0x7FFFFFFF  }
0xc3: {  	_ =	shalt  }
tec
execute0_lowered:
.L_overlay_start_1:
0x0: {  	(tag) =	ssettag $0x1  }
0x1: {  	s0 =	rddreg [dreg:$0x0];
	s1 =	srdreg.scid  }
0x2: {  	s9 =	stileid.u32;
	s4 =	rddreg [dreg:$0x1]  }
0x3: {  	s2 =	simm.s32 $0x0;
	s11 =	simm.s32 $0xB;
	s12 =	simm.s32 $0x80  }
0x4: {  	s13 =	simm.s32 $0x6400;
	s14 =	simm.s32 $0xA400;
	s16 =	simm.s32 $0xE400  }
0x5: {  	s17 =	simm.s32 $0x1;
	s28 =	simm.s32 $0x9;
	s5 =	smul.u32 $0x640000, s9  }
0x6: {  	s29 =	simm.s32 $0xA;
	s1 =	sand.u32 $0x1, s1;
	s19 =	smul.u32 $0xC8000, s9  }
0x7: {  	s30 =	simm.s32 $0x0;
	s3 =	sshll.u32 s9, $0x1;
	s8 =	smul.u32 $0x320000, s1  }
0x8: {  	[smem:$0x7FF] =	sst s2;
	s3 =	sor.u32 s1, s3;
	s20 =	smul.u32 $0x64000, s1  }
0x9: {  	_ =	strace $0x80000047;
	s7 =	ssub.s32 $0x2, s1;
	s3 =	smul.u32 $0x6400, s3  }
0xa: {  	s18 =	sshrl.u32 s7, $0x1;
	s22 =	sadd.s32 s19, s4;
	s19 =	simm.s32 $0x2  }
0xb: {  	s5 =	sadd.s32 s8, s5;
	s6 =	sshrl.u32 s3, $0x3;
	s3 =	sadd.s32 $0x19400, s0  }
0xc: {  	s21 =	sor.u32 $0x10000, s5;
	s24 =	sor.u32 $0xC000, s5;
	s25 =	sor.u32 $0x8000, s5  }
0xd: {  	s5 =	sor.u32 $0x4000, s5;
	s0 =	sadd.s32 s6, s0;
	s6 =	ssub.s32 s7, s18  }
0xe: {  	s1 =	sshrl.u32 s21, $0x3;
	s5 =	sshrl.u32 s5, $0x3;
	s18 =	simm.s32 $0x12400  }
0xf: {  	s21 =	simm.s32 $0x3;
	s0 =	sadd.s32 $0x400, s0;
	s6 =	smax.u32 s6, $0x1  }
0x10: {  	s23 =	sadd.s32 s1, s4;
	s1 =	sshrl.u32 s25, $0x3;
	[dreg:$0x3] =	wrdreg s0  }
0x11: {  	s31 =	sadd.s32 s5, s4;
	s25 =	simm.s32 $0x5;
	[dreg:$0x4] =	wrdreg s6  }
.Ltmp0:
0x12: {  	s0 =	sadd.s32 s20, s22;
	[dreg:$0x6] =	wrdreg s23;
	(pc) =	sbr.rel .LBB2_1-.Ltmp0, $4  }
0x13: {  	s26 =	sadd.s32 s1, s4;
	[dreg:$0x9] =	wrdreg s31;
	s20 =	simm.s32 $0x16400  }
0x14: {  	s22 =	simm.s32 $0x6;
	[dreg:$0x5] =	wrdreg s0;
	s0 =	sshrl.u32 s24, $0x3  }
0x15: {  	s23 =	simm.s32 $0x4;
	[dreg:$0x8] =	wrdreg s26;
	s0 =	sadd.s32 s0, s4  }
0x16: {  	s24 =	simm.s32 $0x7;
	s26 =	simm.s32 $0x8;
	[dreg:$0x7] =	wrdreg s0  }
.LBB2_4:
0x17: {  	_ =	swait.ge [sflag:s28], $0x4000  }
0x18: {  	[sflag:s28] =	ssyncset.done $0x0  }
0x19: {  	[sflag:s28] =	ssyncadd.s32 $0xFFFFC000  }
0x1a: {  	_ =	swait.ge [sflag:s29], $0x4000  }
0x1b: {  	s30 =	sadd.s32 $0x1, s30;
	s0 =	rddreg [dreg:$0x4]  }
0x1c: {  	p0 =	sne.s32 s30, s0  }
.Ltmp1:
0x1d: {  	_ = 	snop;
	(pc) =	sbr.rel @!p0 .LBB2_5-.Ltmp1, $3  }
0x1e: {  	_ =	sdelay $0x1  }
0x1f: {  	[sflag:s29] =	ssyncset.done $0x0  }
0x20: {  	[sflag:s29] =	ssyncadd.s32 $0xFFFFC000  }
.LBB2_1:
0x21: {  	s0 =	rddreg [dreg:$0x3]  }
0x22: {  	[tilespmem:s2], [sflag:$0xB] =	stream.linear.gather [hbm4b:s0+s2], $0x6400, $0x38;
	[tilespmem:$0x1A400] =	vst v63  }
0x23: {  	_ =	swait.ge [sflag:s11], $0x6400  }
0x24: {  	s31 =	rddreg [dreg:$0x9]  }
0x25: {  	[sflag:s11] =	ssyncset.done $0x0;
	s9 =	rddreg [dreg:$0x8]  }
0x26: {  	s8 =	rddreg [dreg:$0x7];
	[sflag:s11] =	ssyncadd.s32 $0xFFFF9C00  }
0x27: {  	[tilespmem:s13], [sflag:$0x1] =	stream.indirect.gather [hbm4b:s3+s12], $0x80, s2, s12, $0xb8;
	[tilespmem:$0x1A400] =	vst v63  }
0x28: {  	s7 =	rddreg [dreg:$0x6]  }
0x29: {  	[tilespmem:s14], [sflag:$0x2] =	stream.indirect.gather [hbm4b:s3+s12], $0x80, s12, s12, $0xb8;
	[tilespmem:$0x1A400] =	vst v63  }
0x2a: {  	s15 =	simm.s32 $0x100;
	s5 =	simm.s32 $0x0;
	s6 =	rddreg [dreg:$0x5]  }
0x2b: {  	[tilespmem:s16], [sflag:$0x3] =	stream.indirect.gather [hbm4b:s3+s12], $0x80, s15, s12, $0xb8;
	[tilespmem:$0x1A400] =	vst v63  }
.LBB2_2:
0x2c: {  	_ =	swait.ge [sflag:s17], $0x4000  }
0x2d: {  	p0 =	seq.s32 s5, $0x0;
	[sflag:s17] =	ssyncset.done $0x0  }
0x2e: {  	s15 =	simm.s32 @!p0 $0x9;
	[sflag:s17] =	ssyncadd.s32 $0xFFFFC000  }
0x2f: {  	[hbm4b:s6+s2] =	stream.linear.scatter [tilespmem:s13], [sflag:$0x6], $0x4000, $0x38;
	[tilespmem:$0x1A400] =	vst v63  }
0x30: {  	_ =	swait.ge @!p0 [sflag:s15], $0x4000  }
0x31: {  	s4 =	sshra.s32 s5, $0x2;
	[sflag:s15] =	ssyncset.done @!p0 $0x0  }
0x32: {  	s1 =	sadd.s32 $0x180, s4;
	[sflag:s15] =	ssyncadd.s32 @!p0 $0xFFFFC000  }
0x33: {  	[tilespmem:s18], [sflag:$0x4] =	stream.indirect.gather [hbm4b:s3+s12], $0x80, s1, s12, $0xb8;
	[tilespmem:$0x1A400] =	vst v63  }
0x34: {  	_ =	swait.ge [sflag:s19], $0x4000  }
0x35: {  	[sflag:s19] =	ssyncset.done $0x0  }
0x36: {  	s15 =	simm.s32 @!p0 $0xA;
	[sflag:s19] =	ssyncadd.s32 $0xFFFFC000  }
0x37: {  	[hbm4b:s31+s2] =	stream.linear.scatter [tilespmem:s14], [sflag:$0x7], $0x4000, $0x38;
	[tilespmem:$0x1A400] =	vst v63  }
0x38: {  	_ =	swait.ge @!p0 [sflag:s15], $0x4000  }
0x39: {  	[sflag:s15] =	ssyncset.done @!p0 $0x0  }
0x3a: {  	s10 =	sadd.s32 $0x200, s4;
	[sflag:s15] =	ssyncadd.s32 @!p0 $0xFFFFC000  }
0x3b: {  	[tilespmem:s20], [sflag:$0x5] =	stream.indirect.gather [hbm4b:s3+s12], $0x80, s10, s12, $0xb8;
	[tilespmem:$0x1A400] =	vst v63  }
0x3c: {  	_ =	swait.ge [sflag:s21], $0x4000  }
0x3d: {  	[sflag:s21] =	ssyncset.done $0x0  }
0x3e: {  	[sflag:s21] =	ssyncadd.s32 $0xFFFFC000  }
0x3f: {  	[hbm4b:s9+s2] =	stream.linear.scatter [tilespmem:s16], [sflag:$0x8], $0x4000, $0x38;
	[tilespmem:$0x1A400] =	vst v63  }
0x40: {  	p0 =	seq.s32 s5, $0x18600;
	_ =	swait.ge [sflag:s22], $0x4000  }
0x41: {  	s15 =	sshra.s32 @!p0 s5, $0x2;
	s1 =	simm.s32 @!p0 $0x80;
	[sflag:s22] =	ssyncset.done $0x0  }
0x42: {  	s10 =	simm.s32 @!p0 $0x6400;
	s0 =	sadd.s32 @!p0 $0x280, s15;
	[sflag:s22] =	ssyncadd.s32 $0xFFFFC000  }
0x43: {  	[tilespmem:s10], [sflag:$0x1] =	stream.indirect.gather @!p0 [hbm4b:s3+s1], $0x80, s0, s1, $0xb8;
	[tilespmem:$0x1A400] =	vst v63  }
0x44: {  	_ =	swait.ge [sflag:s23], $0x4000  }
0x45: {  	[sflag:s23] =	ssyncset.done $0x0  }
0x46: {  	[sflag:s23] =	ssyncadd.s32 $0xFFFFC000  }
0x47: {  	[hbm4b:s8+s2] =	stream.linear.scatter [tilespmem:s18], [sflag:$0x9], $0x4000, $0x38;
	[tilespmem:$0x1A400] =	vst v63  }
0x48: {  	_ =	swait.ge [sflag:s24], $0x4000  }
0x49: {  	[sflag:s24] =	ssyncset.done $0x0  }
0x4a: {  	s0 =	sadd.s32 @!p0 $0x300, s15;
	s10 =	simm.s32 @!p0 $0xA400;
	[sflag:s24] =	ssyncadd.s32 $0xFFFFC000  }
0x4b: {  	[tilespmem:s10], [sflag:$0x2] =	stream.indirect.gather @!p0 [hbm4b:s3+s1], $0x80, s0, s1, $0xb8;
	[tilespmem:$0x1A400] =	vst v63  }
0x4c: {  	_ =	swait.ge [sflag:s25], $0x4000  }
0x4d: {  	[sflag:s25] =	ssyncset.done $0x0  }
.Ltmp2:
0x4e: {  	[sflag:s25] =	ssyncadd.s32 $0xFFFFC000;
	(pc) =	sbr.rel @p0 .LBB2_4-.Ltmp2, $4  }
0x4f: {  	[hbm4b:s7+s2] =	stream.linear.scatter [tilespmem:s20], [sflag:$0xA], $0x4000, $0x38;
	[tilespmem:$0x1A400] =	vst v63  }
0x50: {  	_ =	swait.ge [sflag:s26], $0x4000  }
0x51: {  	[sflag:s26] =	ssyncset.done $0x0  }
0x52: {  	[sflag:s26] =	ssyncadd.s32 $0xFFFFC000  }
.Ltmp3:
0x53: {  	(pc) =	sbr.rel .LBB2_2-.Ltmp3, $4  }
0x54: {  	s0 =	sadd.s32 $0x380, s4  }
0x55: {  	s5 =	sadd.s32 $0xA00, s5;
	s6 =	sadd.s32 $0x2800, s6;
	s7 =	sadd.s32 $0x2800, s7  }
0x56: {  	s8 =	sadd.s32 $0x2800, s8;
	s9 =	sadd.s32 $0x2800, s9;
	s31 =	sadd.s32 $0x2800, s31  }
0x57: {  	[tilespmem:s16], [sflag:$0x3] =	stream.indirect.gather [hbm4b:s3+s12], $0x80, s0, s12, $0xb8;
	[tilespmem:$0x1A400] =	vst v63  }
.LBB2_5:
0x58: {  	_ =	sfence.sel $0x180000  }
0x59: {  	[bflag:$0x0] =	sbarrier.arrive $0xFFFF  }
0x5a: {  	_ =	strace $0x90000047  }
0x5b: {  	s0 =	stileid.u32;
	[bflag:$0x2] =	sbarrier.arrive $0xFFFF  }
0x5c: {  	p0 =	sne.s32 s0, $0x0;
	s0 =	rddreg [dreg:$0x2]  }
0x5d: {  	s0 =	sadd.s32 @!p0 $0x100000, s0  }
0x5e: {  	[sflag:s0] =	ssyncadd.tile.s32 @!p0 $0x1;
	_ =	shalt  }
.Lfunc_end2:
_tile_overlayer_lowered:
.L_overlay_start_2:
0x5f: {  	(tag) =	ssettag $0x2  }
0x60: {  	s0 =	rddreg [dreg:$0x0];
	s2 =	stileid.u32  }
0x61: {  	s1 =	rddreg [dreg:$0x1];
	p0 =	sne.s32 s2, $0x0  }
0x62: {  	s3 =	rddreg [dreg:$0x2];
	[bflag:$0x3] =	sbarrier.arrive $0xFFFF;
	s2 =	simm.s32 @!p0 $0x1C0B  }
0x63: {  	[timem:s3], [sflag:s2] =	dma.local @!p0 [hbm:s0], s1  }
0x64: {  	s0 =	simm.s32 @!p0 $0xB  }
0x65: {  	_ =	swait.ge @!p0 [sflag:s0], s1  }
0x66: {  	s1 =	ssub.s32 @!p0 $0x0, s1;
	[sflag:s0] =	ssyncset.done @!p0 $0x0  }
0x67: {  	[sflag:s0] =	ssyncadd.s32 @!p0 s1  }
0x68: {  	[bflag:$0x3] =	sbarrier.arrive $0xFFFF  }
0x69: {  	_ =	shalt  }

</sc_bundles>
